<compile_context>
chip_gen: v7x
topology: tpu7x:2x2x1
jax: 0.10.2.dev20260603
libtpu: 0.0.44.dev20260713+nightly
codegen_flags: <defaults>
</compile_context>

<pallas_src>
import functools

import jax
import jax.numpy as jnp
from jax import lax
from jax.experimental import pallas as pl
from jax.experimental.pallas import tpu as pltpu
from jax.experimental.pallas import tpu_sc as plsc

NC = 2
NS = 16
L = 16
NW = NC * NS


def _sc_partials(pred, target, bins, bin_weights, *, n_sc, chunk, nbins):
    per_w = n_sc // NW
    nchunk = per_w // chunk
    vecs = chunk // L
    nbm1 = nbins - 1

    mesh = plsc.VectorSubcoreMesh(
        core_axis_name="c", subcore_axis_name="s",
        num_cores=NC, num_subcores=NS)

    @functools.partial(
        pl.kernel,
        out_type=jax.ShapeDtypeStruct((NW * L,), jnp.float32),
        mesh=mesh,
        scratch_types=[
            pltpu.VMEM((chunk,), jnp.float32),
            pltpu.VMEM((chunk,), jnp.float32),
            pltpu.VMEM((chunk,), jnp.float32),
            pltpu.VMEM((chunk,), jnp.float32),
            pltpu.VMEM((L,), jnp.float32),
            pltpu.VMEM((L,), jnp.float32),
            pltpu.VMEM((L,), jnp.float32),
            pltpu.SemaphoreType.DMA,
            pltpu.SemaphoreType.DMA,
        ],
        compiler_params=pltpu.CompilerParams(needs_layout_passes=False),
    )
    def k(pred_hbm, targ_hbm, bw_hbm, bins_hbm, out_hbm,
          pb0, pb1, tb0, tb1, wv, bv, av, sem0, sem1):
        wid = lax.axis_index("s") * NC + lax.axis_index("c")
        base = wid * per_w
        pltpu.sync_copy(bw_hbm, wv)
        pltpu.sync_copy(bins_hbm, bv)
        bvec = bv[...]
        b0 = jnp.broadcast_to(bvec[0], (L,))
        bn = jnp.broadcast_to(bvec[nbins], (L,))
        iscale = jnp.float32(nbins) / (bn - b0)

        pbs, tbs, sems = (pb0, pb1), (tb0, tb1), (sem0, sem1)

        def issue(ci):
            s = ci % 2
            off = base + ci * chunk
            return (
                pltpu.async_copy(pred_hbm.at[pl.ds(off, chunk)], pbs[s], sems[s]),
                pltpu.async_copy(targ_hbm.at[pl.ds(off, chunk)], tbs[s], sems[s]),
            )

        pend = [issue(0), None]
        acc = jnp.zeros((L,), jnp.float32)
        for ci in range(nchunk):
            s = ci % 2
            if ci + 1 < nchunk:
                pend[(ci + 1) % 2] = issue(ci + 1)
            for c in pend[s]:
                c.wait()
            pbuf, tbuf = pbs[s], tbs[s]

            def vec_body(vi, a, pbuf=pbuf, tbuf=tbuf):
                t = tbuf[pl.ds(vi * L, L)]
                p = pbuf[pl.ds(vi * L, L)]
                idx = jnp.clip(((t - b0) * iscale).astype(jnp.int32), 0, nbm1)
                w = plsc.load_gather(wv, [idx])
                d = p - t
                return a + w * (d * d)

            acc = lax.fori_loop(0, vecs, vec_body, acc, unroll=4)

        av[...] = acc
        pltpu.sync_copy(av, out_hbm.at[pl.ds(wid * L, L)])

    return k(pred, target, bin_weights, bins)


def _tc_partials(pred, target, bins, bin_weights, *, start, block_rows):
    n = pred.shape[0]
    rows = n // 128
    row0 = start // 128
    nsteps = (rows - row0) // block_rows
    blk0 = row0 // block_rows
    nbins = bin_weights.shape[0]
    p2 = pred.reshape(rows, 128)
    t2 = target.reshape(rows, 128)

    def tck(bins_ref, bw_ref, p_ref, t_ref, o_ref):
        i = pl.program_id(0)

        @pl.when(i == 0)
        def _():
            o_ref[...] = jnp.zeros_like(o_ref)

        p = p_ref[...]
        t = t_ref[...]
        w = jnp.full(t.shape, bw_ref[0], jnp.float32)
        for j in range(1, nbins):
            w = jnp.where(t >= bins_ref[j], bw_ref[j], w)
        d = p - t
        s = w * (d * d)
        o_ref[...] += s.reshape(block_rows // 8, 8, 128).sum(axis=0)

    return pl.pallas_call(
        tck,
        grid=(nsteps,),
        in_specs=[
            pl.BlockSpec(memory_space=pltpu.SMEM),
            pl.BlockSpec(memory_space=pltpu.SMEM),
            pl.BlockSpec((block_rows, 128), lambda i: (i + blk0, 0)),
            pl.BlockSpec((block_rows, 128), lambda i: (i + blk0, 0)),
        ],
        out_specs=pl.BlockSpec((8, 128), lambda i: (0, 0)),
        out_shape=jax.ShapeDtypeStruct((8, 128), jnp.float32),
    )(bins, bin_weights, p2, t2)


def kernel(pred, target, bins, bin_weights):
    n = pred.shape[0]
    nb = bin_weights.shape[0]
    p = pred.reshape(-1)
    t = target.reshape(-1)

    n_sc = (n * 7) // 16
    wtab16 = jnp.zeros((L,), jnp.float32).at[:nb].set(bin_weights)
    bins16 = jnp.zeros((L,), jnp.float32).at[:nb + 1].set(bins)
    sc_part = _sc_partials(p, t, bins16, wtab16,
                           n_sc=n_sc, chunk=16384, nbins=nb)
    tc_part = _tc_partials(p, t, bins, bin_weights,
                           start=n_sc, block_rows=4096)
    return (jnp.sum(sc_part) + jnp.sum(tc_part)) / jnp.float32(n)

# --- scband reference (transcript-rebuilt; emitter-appended) ---
"""Pipeline reference for scband-inverse-frequency-weighted-mseloss-30751965839585 (READ-ONLY COPY).

The authoritative reference and input builder live on the scoring server;
editing this copy changes nothing except your own understanding.
"""

import jax, jax.numpy as jnp
import numpy as np

N_BINS = 10
LABELS = np.array([-4.0, -3.5, -3.0, -2.5, -2.0, -1.5, -1.0, -0.5, 0.0, 0.5, 1.0, 1.5, 2.0, 2.5, 3.0, 3.5, 4.0], dtype=np.float64)

def _make_buffers():
    bins = np.linspace(LABELS.min(), LABELS.max(), N_BINS + 1)
    bin_counts = np.histogram(LABELS, bins=bins)[0]
    bin_weights = 1.0 / (bin_counts + 1e-06)
    bin_weights = bin_weights / bin_weights.sum() * N_BINS
    return jnp.asarray(bins, dtype=jnp.float32), jnp.asarray(bin_weights, dtype=jnp.float32)

def setup_inputs(seed: int = 0) -> dict:
    key = jax.random.key(seed)
    k1, k2 = jax.random.split(key)
    N = 8388608
    pred = jax.random.normal(k1, (N, 1), dtype=jnp.float32)
    target = jax.random.normal(k2, (N, 1), dtype=jnp.float32)
    bins, bin_weights = _make_buffers()
    return {"pred": pred, "target": target, "bins": bins, "bin_weights": bin_weights}

def reference(pred, target, bins, bin_weights):
    # np.digitize(x, bins) with increasing bins == searchsorted(bins, x, side='right')
    flat = target.reshape(-1)
    bin_indices = jnp.searchsorted(bins, flat, side='right') - 1
    bin_indices = jnp.clip(bin_indices, 0, bin_weights.shape[0] - 1)
    weights = jnp.take(bin_weights, bin_indices, axis=0)
    mse = (pred - target) ** 2
    loss = weights.reshape(-1, 1) * mse
    return loss.mean()

if __name__ == "__main__":
    import jax
    _d = setup_inputs()
    print(jax.jit(kernel)(*tuple(_d.values())))

</pallas_src>

<mosaic_0001>
#map = affine_map<(d0, d1) -> (0)>
module attributes {stable_mosaic.version = 14 : i64} {
  func.func @k(%arg0: i32, %arg1: i32, %arg2: memref<8388608xf32, #tpu.memory_space<hbm>>, %arg3: memref<8388608xf32, #tpu.memory_space<hbm>>, %arg4: memref<16xf32, #tpu.memory_space<hbm>>, %arg5: memref<16xf32, #tpu.memory_space<hbm>>, %arg6: memref<512xf32, #tpu.memory_space<hbm>>, %arg7: memref<16384xf32, #tpu.memory_space<vmem>>, %arg8: memref<16384xf32, #tpu.memory_space<vmem>>, %arg9: memref<16384xf32, #tpu.memory_space<vmem>>, %arg10: memref<16384xf32, #tpu.memory_space<vmem>>, %arg11: memref<16xf32, #tpu.memory_space<vmem>>, %arg12: memref<16xf32, #tpu.memory_space<vmem>>, %arg13: memref<16xf32, #tpu.memory_space<vmem>>, %arg14: memref<!tpu.dma_semaphore, #tpu.memory_space<semaphore_mem>>, %arg15: memref<!tpu.dma_semaphore, #tpu.memory_space<semaphore_mem>>) attributes {dimension_semantics = [#tpu.dimension_semantics<core_parallel>, #tpu.dimension_semantics<subcore_parallel>], iteration_bounds = array<i64: 2, 16>, scalar_prefetch = 0 : i64, scratch_operands = 9 : i64, tpu.core_type = #tpu.core_type<sc_vector_subcore>, window_params = [{transform_indices = #map}, {transform_indices = #map}, {transform_indices = #map}, {transform_indices = #map}, {transform_indices = #map}]} {
    %mul3A = arith.constant 2 : i32
    %mul3A_0 = arith.muli %arg1, %mul3A : i32
    %add3A = arith.addi %mul3A_0, %arg0 : i32
    %mul3A_1 = arith.constant 114688 : i32
    %mul3A_2 = arith.muli %add3A, %mul3A_1 : i32
    "tpu.region"() ({
      %run_scoped3A = tpu.sem_alloc : memref<!tpu.dma_semaphore, #tpu.memory_space<semaphore_mem>>
      tpu.enqueue_dma source(%arg4 : memref<16xf32, #tpu.memory_space<hbm>>) target(%arg11 : memref<16xf32, #tpu.memory_space<vmem>>) target_semaphore(%run_scoped3A : memref<!tpu.dma_semaphore, #tpu.memory_space<semaphore_mem>>)
      tpu.wait_dma2 semaphore(%run_scoped3A : memref<!tpu.dma_semaphore, #tpu.memory_space<semaphore_mem>>) src(%arg4 : memref<16xf32, #tpu.memory_space<hbm>>) dst(%arg11 : memref<16xf32, #tpu.memory_space<vmem>>)
      tpu.yield
    }) : () -> ()
    "tpu.region"() ({
      %run_scoped3A = tpu.sem_alloc : memref<!tpu.dma_semaphore, #tpu.memory_space<semaphore_mem>>
      tpu.enqueue_dma source(%arg5 : memref<16xf32, #tpu.memory_space<hbm>>) target(%arg12 : memref<16xf32, #tpu.memory_space<vmem>>) target_semaphore(%run_scoped3A : memref<!tpu.dma_semaphore, #tpu.memory_space<semaphore_mem>>)
      tpu.wait_dma2 semaphore(%run_scoped3A : memref<!tpu.dma_semaphore, #tpu.memory_space<semaphore_mem>>) src(%arg5 : memref<16xf32, #tpu.memory_space<hbm>>) dst(%arg12 : memref<16xf32, #tpu.memory_space<vmem>>)
      tpu.yield
    }) : () -> ()
    %get3A = arith.constant 0 : index
    %get3A_3 = tpu.vector_load %arg12[%get3A] {strides = array<i32>} : memref<16xf32, #tpu.memory_space<vmem>>, vector<16xf32>,
    %slice3A = vector.extract_strided_slice %get3A_3 {offsets = [0], sizes = [1], strides = [1]} : vector<16xf32> to vector<1xf32>
    %squeeze3A = vector.extract %slice3A[0] : f32 from vector<1xf32>
    %broadcast_in_dim3A = vector.broadcast %squeeze3A : f32 to vector<16xf32>
    %slice3A_4 = vector.extract_strided_slice %get3A_3 {offsets = [10], sizes = [1], strides = [1]} : vector<16xf32> to vector<1xf32>
    %squeeze3A_5 = vector.extract %slice3A_4[0] : f32 from vector<1xf32>
    %broadcast_in_dim3A_6 = vector.broadcast %squeeze3A_5 : f32 to vector<16xf32>
    %sub3A = arith.subf %broadcast_in_dim3A_6, %broadcast_in_dim3A : vector<16xf32>
    %div3A = arith.constant 1.000000e+01 : f32
    %div3A_7 = vector.broadcast %div3A : f32 to vector<16xf32>
    %div3A_8 = arith.divf %div3A_7, %sub3A : vector<16xf32>
    %add3A_9 = arith.constant 0 : i32
    %add3A_10 = arith.addi %mul3A_2, %add3A_9 : i32
    %dma_start3A = tpu.memref_slice %arg2[%add3A_10] : memref<8388608xf32, #tpu.memory_space<hbm>> -> memref<16384xf32, #tpu.memory_space<hbm>>
    %dma_start3A_11 = tpu.memref_slice %arg2[%add3A_10] : memref<8388608xf32, #tpu.memory_space<hbm>> -> memref<16384xf32, #tpu.memory_space<hbm>>
    tpu.enqueue_dma source(%dma_start3A_11 : memref<16384xf32, #tpu.memory_space<hbm>>) target(%arg7 : memref<16384xf32, #tpu.memory_space<vmem>>) target_semaphore(%arg14 : memref<!tpu.dma_semaphore, #tpu.memory_space<semaphore_mem>>)
    %dma_start3A_12 = tpu.memref_slice %arg3[%add3A_10] : memref<8388608xf32, #tpu.memory_space<hbm>> -> memref<16384xf32, #tpu.memory_space<hbm>>
    %dma_start3A_13 = tpu.memref_slice %arg3[%add3A_10] : memref<8388608xf32, #tpu.memory_space<hbm>> -> memref<16384xf32, #tpu.memory_space<hbm>>
    tpu.enqueue_dma source(%dma_start3A_13 : memref<16384xf32, #tpu.memory_space<hbm>>) target(%arg9 : memref<16384xf32, #tpu.memory_space<vmem>>) target_semaphore(%arg14 : memref<!tpu.dma_semaphore, #tpu.memory_space<semaphore_mem>>)
    %broadcast_in_dim3A_14 = arith.constant 0.000000e+00 : f32
    %broadcast_in_dim3A_15 = vector.broadcast %broadcast_in_dim3A_14 : f32 to vector<16xf32>
    %add3A_16 = arith.constant 16384 : i32
    %add3A_17 = arith.addi %mul3A_2, %add3A_16 : i32
    %dma_start3A_18 = tpu.memref_slice %arg2[%add3A_17] : memref<8388608xf32, #tpu.memory_space<hbm>> -> memref<16384xf32, #tpu.memory_space<hbm>>
    %dma_start3A_19 = tpu.memref_slice %arg2[%add3A_17] : memref<8388608xf32, #tpu.memory_space<hbm>> -> memref<16384xf32, #tpu.memory_space<hbm>>
    tpu.enqueue_dma source(%dma_start3A_19 : memref<16384xf32, #tpu.memory_space<hbm>>) target(%arg8 : memref<16384xf32, #tpu.memory_space<vmem>>) target_semaphore(%arg15 : memref<!tpu.dma_semaphore, #tpu.memory_space<semaphore_mem>>)
    %dma_start3A_20 = tpu.memref_slice %arg3[%add3A_17] : memref<8388608xf32, #tpu.memory_space<hbm>> -> memref<16384xf32, #tpu.memory_space<hbm>>
    %dma_start3A_21 = tpu.memref_slice %arg3[%add3A_17] : memref<8388608xf32, #tpu.memory_space<hbm>> -> memref<16384xf32, #tpu.memory_space<hbm>>
    tpu.enqueue_dma source(%dma_start3A_21 : memref<16384xf32, #tpu.memory_space<hbm>>) target(%arg10 : memref<16384xf32, #tpu.memory_space<vmem>>) target_semaphore(%arg15 : memref<!tpu.dma_semaphore, #tpu.memory_space<semaphore_mem>>)
    %dma_wait3A = tpu.memref_slice %arg2[%add3A_10] : memref<8388608xf32, #tpu.memory_space<hbm>> -> memref<16384xf32, #tpu.memory_space<hbm>>
    %dma_wait3A_22 = tpu.memref_slice %arg2[%add3A_10] : memref<8388608xf32, #tpu.memory_space<hbm>> -> memref<16384xf32, #tpu.memory_space<hbm>>
    tpu.wait_dma2 semaphore(%arg14 : memref<!tpu.dma_semaphore, #tpu.memory_space<semaphore_mem>>) src(%dma_wait3A_22 : memref<16384xf32, #tpu.memory_space<hbm>>) dst(%arg7 : memref<16384xf32, #tpu.memory_space<vmem>>)
    %dma_wait3A_23 = tpu.memref_slice %arg3[%add3A_10] : memref<8388608xf32, #tpu.memory_space<hbm>> -> memref<16384xf32, #tpu.memory_space<hbm>>
    %dma_wait3A_24 = tpu.memref_slice %arg3[%add3A_10] : memref<8388608xf32, #tpu.memory_space<hbm>> -> memref<16384xf32, #tpu.memory_space<hbm>>
    tpu.wait_dma2 semaphore(%arg14 : memref<!tpu.dma_semaphore, #tpu.memory_space<semaphore_mem>>) src(%dma_wait3A_24 : memref<16384xf32, #tpu.memory_space<hbm>>) dst(%arg9 : memref<16384xf32, #tpu.memory_space<vmem>>)
    %scan3A = arith.constant 0 : i32
    %scan3A_25 = arith.constant 1024 : i32
    %scan3A_26 = arith.addi %scan3A, %scan3A_25 : i32
    %scan3A_27 = arith.constant 4 : i32
    %scan3A_28 = scf.for %scan3A_123 = %scan3A to %scan3A_26 step %scan3A_27 iter_args(%scan3A_124 = %broadcast_in_dim3A_15) -> (vector<16xf32>)  : i32 {
      %mul3A_125 = arith.constant 16 : i32
      %mul3A_126 = arith.muli %scan3A_123, %mul3A_125 : i32
      %get3A_127 = arith.index_cast %mul3A_126 : i32 to index
      %get3A_128 = tpu.vector_load %arg9[%get3A_127] {strides = array<i32>} : memref<16384xf32, #tpu.memory_space<vmem>>, vector<16xf32>,
      %mul3A_129 = arith.constant 16 : i32
      %mul3A_130 = arith.muli %scan3A_123, %mul3A_129 : i32
      %get3A_131 = arith.index_cast %mul3A_130 : i32 to index
      %get3A_132 = tpu.vector_load %arg7[%get3A_131] {strides = array<i32>} : memref<16384xf32, #tpu.memory_space<vmem>>, vector<16xf32>,
      %sub3A_133 = arith.subf %get3A_128, %broadcast_in_dim3A : vector<16xf32>
      %mul3A_134 = arith.mulf %sub3A_133, %div3A_8 : vector<16xf32>
      %convert_element_type3A = arith.fptosi %mul3A_134 : vector<16xf32> to vector<16xi32>
      %jit3A = arith.constant 0 : i32
      %jit3A_135 = arith.constant 9 : i32
      %max3A = vector.broadcast %jit3A : i32 to vector<16xi32>
      %max3A_136 = arith.maxsi %max3A, %convert_element_type3A : vector<16xi32>
      %min3A = vector.broadcast %jit3A_135 : i32 to vector<16xi32>
      %min3A_137 = arith.minsi %min3A, %max3A_136 : vector<16xi32>
      %gather3A = tpu.vector_load_idx %arg11[%min3A_137] : memref<16xf32, #tpu.memory_space<vmem>>[vector<16xi32>], vector<16xf32>,
      %sub3A_138 = arith.subf %get3A_132, %get3A_128 : vector<16xf32>
      %mul3A_139 = arith.mulf %sub3A_138, %sub3A_138 : vector<16xf32>
      %mul3A_140 = arith.mulf %gather3A, %mul3A_139 : vector<16xf32>
      %add3A_141 = arith.addf %scan3A_124, %mul3A_140 : vector<16xf32>
      %scan3A_142 = arith.constant 1 : i32
      %scan3A_143 = arith.addi %scan3A_123, %scan3A_142 : i32
      %mul3A_144 = arith.constant 16 : i32
      %mul3A_145 = arith.muli %scan3A_143, %mul3A_144 : i32
      %get3A_146 = arith.index_cast %mul3A_145 : i32 to index
      %get3A_147 = tpu.vector_load %arg9[%get3A_146] {strides = array<i32>} : memref<16384xf32, #tpu.memory_space<vmem>>, vector<16xf32>,
      %mul3A_148 = arith.constant 16 : i32
      %mul3A_149 = arith.muli %scan3A_143, %mul3A_148 : i32
      %get3A_150 = arith.index_cast %mul3A_149 : i32 to index
      %get3A_151 = tpu.vector_load %arg7[%get3A_150] {strides = array<i32>} : memref<16384xf32, #tpu.memory_space<vmem>>, vector<16xf32>,
      %sub3A_152 = arith.subf %get3A_147, %broadcast_in_dim3A : vector<16xf32>
      %mul3A_153 = arith.mulf %sub3A_152, %div3A_8 : vector<16xf32>
      %convert_element_type3A_154 = arith.fptosi %mul3A_153 : vector<16xf32> to vector<16xi32>
      %jit3A_155 = arith.constant 0 : i32
      %jit3A_156 = arith.constant 9 : i32
      %max3A_157 = vector.broadcast %jit3A_155 : i32 to vector<16xi32>
      %max3A_158 = arith.maxsi %max3A_157, %convert_element_type3A_154 : vector<16xi32>
      %min3A_159 = vector.broadcast %jit3A_156 : i32 to vector<16xi32>
      %min3A_160 = arith.minsi %min3A_159, %max3A_158 : vector<16xi32>
      %gather3A_161 = tpu.vector_load_idx %arg11[%min3A_160] : memref<16xf32, #tpu.memory_space<vmem>>[vector<16xi32>], vector<16xf32>,
      %sub3A_162 = arith.subf %get3A_151, %get3A_147 : vector<16xf32>
      %mul3A_163 = arith.mulf %sub3A_162, %sub3A_162 : vector<16xf32>
      %mul3A_164 = arith.mulf %gather3A_161, %mul3A_163 : vector<16xf32>
      %add3A_165 = arith.addf %add3A_141, %mul3A_164 : vector<16xf32>
      %scan3A_166 = arith.constant 2 : i32
      %scan3A_167 = arith.addi %scan3A_123, %scan3A_166 : i32
      %mul3A_168 = arith.constant 16 : i32
      %mul3A_169 = arith.muli %scan3A_167, %mul3A_168 : i32
      %get3A_170 = arith.index_cast %mul3A_169 : i32 to index
      %get3A_171 = tpu.vector_load %arg9[%get3A_170] {strides = array<i32>} : memref<16384xf32, #tpu.memory_space<vmem>>, vector<16xf32>,
      %mul3A_172 = arith.constant 16 : i32
      %mul3A_173 = arith.muli %scan3A_167, %mul3A_172 : i32
      %get3A_174 = arith.index_cast %mul3A_173 : i32 to index
      %get3A_175 = tpu.vector_load %arg7[%get3A_174] {strides = array<i32>} : memref<16384xf32, #tpu.memory_space<vmem>>, vector<16xf32>,
      %sub3A_176 = arith.subf %get3A_171, %broadcast_in_dim3A : vector<16xf32>
      %mul3A_177 = arith.mulf %sub3A_176, %div3A_8 : vector<16xf32>
      %convert_element_type3A_178 = arith.fptosi %mul3A_177 : vector<16xf32> to vector<16xi32>
      %jit3A_179 = arith.constant 0 : i32
      %jit3A_180 = arith.constant 9 : i32
      %max3A_181 = vector.broadcast %jit3A_179 : i32 to vector<16xi32>
      %max3A_182 = arith.maxsi %max3A_181, %convert_element_type3A_178 : vector<16xi32>
      %min3A_183 = vector.broadcast %jit3A_180 : i32 to vector<16xi32>
      %min3A_184 = arith.minsi %min3A_183, %max3A_182 : vector<16xi32>
      %gather3A_185 = tpu.vector_load_idx %arg11[%min3A_184] : memref<16xf32, #tpu.memory_space<vmem>>[vector<16xi32>], vector<16xf32>,
      %sub3A_186 = arith.subf %get3A_175, %get3A_171 : vector<16xf32>
      %mul3A_187 = arith.mulf %sub3A_186, %sub3A_186 : vector<16xf32>
      %mul3A_188 = arith.mulf %gather3A_185, %mul3A_187 : vector<16xf32>
      %add3A_189 = arith.addf %add3A_165, %mul3A_188 : vector<16xf32>
      %scan3A_190 = arith.constant 3 : i32
      %scan3A_191 = arith.addi %scan3A_123, %scan3A_190 : i32
      %mul3A_192 = arith.constant 16 : i32
      %mul3A_193 = arith.muli %scan3A_191, %mul3A_192 : i32
      %get3A_194 = arith.index_cast %mul3A_193 : i32 to index
      %get3A_195 = tpu.vector_load %arg9[%get3A_194] {strides = array<i32>} : memref<16384xf32, #tpu.memory_space<vmem>>, vector<16xf32>,
      %mul3A_196 = arith.constant 16 : i32
      %mul3A_197 = arith.muli %scan3A_191, %mul3A_196 : i32
      %get3A_198 = arith.index_cast %mul3A_197 : i32 to index
      %get3A_199 = tpu.vector_load %arg7[%get3A_198] {strides = array<i32>} : memref<16384xf32, #tpu.memory_space<vmem>>, vector<16xf32>,
      %sub3A_200 = arith.subf %get3A_195, %broadcast_in_dim3A : vector<16xf32>
      %mul3A_201 = arith.mulf %sub3A_200, %div3A_8 : vector<16xf32>
      %convert_element_type3A_202 = arith.fptosi %mul3A_201 : vector<16xf32> to vector<16xi32>
      %jit3A_203 = arith.constant 0 : i32
      %jit3A_204 = arith.constant 9 : i32
      %max3A_205 = vector.broadcast %jit3A_203 : i32 to vector<16xi32>
      %max3A_206 = arith.maxsi %max3A_205, %convert_element_type3A_202 : vector<16xi32>
      %min3A_207 = vector.broadcast %jit3A_204 : i32 to vector<16xi32>
      %min3A_208 = arith.minsi %min3A_207, %max3A_206 : vector<16xi32>
      %gather3A_209 = tpu.vector_load_idx %arg11[%min3A_208] : memref<16xf32, #tpu.memory_space<vmem>>[vector<16xi32>], vector<16xf32>,
      %sub3A_210 = arith.subf %get3A_199, %get3A_195 : vector<16xf32>
      %mul3A_211 = arith.mulf %sub3A_210, %sub3A_210 : vector<16xf32>
      %mul3A_212 = arith.mulf %gather3A_209, %mul3A_211 : vector<16xf32>
      %add3A_213 = arith.addf %add3A_189, %mul3A_212 : vector<16xf32>
      scf.yield %add3A_213 : vector<16xf32>
    }
    %scan3A_29 = arith.constant 1024 : i32
    %add3A_30 = arith.constant 32768 : i32
    %add3A_31 = arith.addi %mul3A_2, %add3A_30 : i32
    %dma_start3A_32 = tpu.memref_slice %arg2[%add3A_31] : memref<8388608xf32, #tpu.memory_space<hbm>> -> memref<16384xf32, #tpu.memory_space<hbm>>
    %dma_start3A_33 = tpu.memref_slice %arg2[%add3A_31] : memref<8388608xf32, #tpu.memory_space<hbm>> -> memref<16384xf32, #tpu.memory_space<hbm>>
    tpu.enqueue_dma source(%dma_start3A_33 : memref<16384xf32, #tpu.memory_space<hbm>>) target(%arg7 : memref<16384xf32, #tpu.memory_space<vmem>>) target_semaphore(%arg14 : memref<!tpu.dma_semaphore, #tpu.memory_space<semaphore_mem>>)
    %dma_start3A_34 = tpu.memref_slice %arg3[%add3A_31] : memref<8388608xf32, #tpu.memory_space<hbm>> -> memref<16384xf32, #tpu.memory_space<hbm>>
    %dma_start3A_35 = tpu.memref_slice %arg3[%add3A_31] : memref<8388608xf32, #tpu.memory_space<hbm>> -> memref<16384xf32, #tpu.memory_space<hbm>>
    tpu.enqueue_dma source(%dma_start3A_35 : memref<16384xf32, #tpu.memory_space<hbm>>) target(%arg9 : memref<16384xf32, #tpu.memory_space<vmem>>) target_semaphore(%arg14 : memref<!tpu.dma_semaphore, #tpu.memory_space<semaphore_mem>>)
    %dma_wait3A_36 = tpu.memref_slice %arg2[%add3A_17] : memref<8388608xf32, #tpu.memory_space<hbm>> -> memref<16384xf32, #tpu.memory_space<hbm>>
    %dma_wait3A_37 = tpu.memref_slice %arg2[%add3A_17] : memref<8388608xf32, #tpu.memory_space<hbm>> -> memref<16384xf32, #tpu.memory_space<hbm>>
    tpu.wait_dma2 semaphore(%arg15 : memref<!tpu.dma_semaphore, #tpu.memory_space<semaphore_mem>>) src(%dma_wait3A_37 : memref<16384xf32, #tpu.memory_space<hbm>>) dst(%arg8 : memref<16384xf32, #tpu.memory_space<vmem>>)
    %dma_wait3A_38 = tpu.memref_slice %arg3[%add3A_17] : memref<8388608xf32, #tpu.memory_space<hbm>> -> memref<16384xf32, #tpu.memory_space<hbm>>
    %dma_wait3A_39 = tpu.memref_slice %arg3[%add3A_17] : memref<8388608xf32, #tpu.memory_space<hbm>> -> memref<16384xf32, #tpu.memory_space<hbm>>
    tpu.wait_dma2 semaphore(%arg15 : memref<!tpu.dma_semaphore, #tpu.memory_space<semaphore_mem>>) src(%dma_wait3A_39 : memref<16384xf32, #tpu.memory_space<hbm>>) dst(%arg10 : memref<16384xf32, #tpu.memory_space<vmem>>)
    %scan3A_40 = arith.constant 0 : i32
    %scan3A_41 = arith.constant 1024 : i32
    %scan3A_42 = arith.addi %scan3A_40, %scan3A_41 : i32
    %scan3A_43 = arith.constant 4 : i32
    %scan3A_44 = scf.for %scan3A_123 = %scan3A_40 to %scan3A_42 step %scan3A_43 iter_args(%scan3A_124 = %scan3A_28) -> (vector<16xf32>)  : i32 {
      %mul3A_125 = arith.constant 16 : i32
      %mul3A_126 = arith.muli %scan3A_123, %mul3A_125 : i32
      %get3A_127 = arith.index_cast %mul3A_126 : i32 to index
      %get3A_128 = tpu.vector_load %arg10[%get3A_127] {strides = array<i32>} : memref<16384xf32, #tpu.memory_space<vmem>>, vector<16xf32>,
      %mul3A_129 = arith.constant 16 : i32
      %mul3A_130 = arith.muli %scan3A_123, %mul3A_129 : i32
      %get3A_131 = arith.index_cast %mul3A_130 : i32 to index
      %get3A_132 = tpu.vector_load %arg8[%get3A_131] {strides = array<i32>} : memref<16384xf32, #tpu.memory_space<vmem>>, vector<16xf32>,
      %sub3A_133 = arith.subf %get3A_128, %broadcast_in_dim3A : vector<16xf32>
      %mul3A_134 = arith.mulf %sub3A_133, %div3A_8 : vector<16xf32>
      %convert_element_type3A = arith.fptosi %mul3A_134 : vector<16xf32> to vector<16xi32>
      %jit3A = arith.constant 0 : i32
      %jit3A_135 = arith.constant 9 : i32
      %max3A = vector.broadcast %jit3A : i32 to vector<16xi32>
      %max3A_136 = arith.maxsi %max3A, %convert_element_type3A : vector<16xi32>
      %min3A = vector.broadcast %jit3A_135 : i32 to vector<16xi32>
      %min3A_137 = arith.minsi %min3A, %max3A_136 : vector<16xi32>
      %gather3A = tpu.vector_load_idx %arg11[%min3A_137] : memref<16xf32, #tpu.memory_space<vmem>>[vector<16xi32>], vector<16xf32>,
      %sub3A_138 = arith.subf %get3A_132, %get3A_128 : vector<16xf32>
      %mul3A_139 = arith.mulf %sub3A_138, %sub3A_138 : vector<16xf32>
      %mul3A_140 = arith.mulf %gather3A, %mul3A_139 : vector<16xf32>
      %add3A_141 = arith.addf %scan3A_124, %mul3A_140 : vector<16xf32>
      %scan3A_142 = arith.constant 1 : i32
      %scan3A_143 = arith.addi %scan3A_123, %scan3A_142 : i32
      %mul3A_144 = arith.constant 16 : i32
      %mul3A_145 = arith.muli %scan3A_143, %mul3A_144 : i32
      %get3A_146 = arith.index_cast %mul3A_145 : i32 to index
      %get3A_147 = tpu.vector_load %arg10[%get3A_146] {strides = array<i32>} : memref<16384xf32, #tpu.memory_space<vmem>>, vector<16xf32>,
      %mul3A_148 = arith.constant 16 : i32
      %mul3A_149 = arith.muli %scan3A_143, %mul3A_148 : i32
      %get3A_150 = arith.index_cast %mul3A_149 : i32 to index
      %get3A_151 = tpu.vector_load %arg8[%get3A_150] {strides = array<i32>} : memref<16384xf32, #tpu.memory_space<vmem>>, vector<16xf32>,
      %sub3A_152 = arith.subf %get3A_147, %broadcast_in_dim3A : vector<16xf32>
      %mul3A_153 = arith.mulf %sub3A_152, %div3A_8 : vector<16xf32>
      %convert_element_type3A_154 = arith.fptosi %mul3A_153 : vector<16xf32> to vector<16xi32>
      %jit3A_155 = arith.constant 0 : i32
      %jit3A_156 = arith.constant 9 : i32
      %max3A_157 = vector.broadcast %jit3A_155 : i32 to vector<16xi32>
      %max3A_158 = arith.maxsi %max3A_157, %convert_element_type3A_154 : vector<16xi32>
      %min3A_159 = vector.broadcast %jit3A_156 : i32 to vector<16xi32>
      %min3A_160 = arith.minsi %min3A_159, %max3A_158 : vector<16xi32>
      %gather3A_161 = tpu.vector_load_idx %arg11[%min3A_160] : memref<16xf32, #tpu.memory_space<vmem>>[vector<16xi32>], vector<16xf32>,
      %sub3A_162 = arith.subf %get3A_151, %get3A_147 : vector<16xf32>
      %mul3A_163 = arith.mulf %sub3A_162, %sub3A_162 : vector<16xf32>
      %mul3A_164 = arith.mulf %gather3A_161, %mul3A_163 : vector<16xf32>
      %add3A_165 = arith.addf %add3A_141, %mul3A_164 : vector<16xf32>
      %scan3A_166 = arith.constant 2 : i32
      %scan3A_167 = arith.addi %scan3A_123, %scan3A_166 : i32
      %mul3A_168 = arith.constant 16 : i32
      %mul3A_169 = arith.muli %scan3A_167, %mul3A_168 : i32
      %get3A_170 = arith.index_cast %mul3A_169 : i32 to index
      %get3A_171 = tpu.vector_load %arg10[%get3A_170] {strides = array<i32>} : memref<16384xf32, #tpu.memory_space<vmem>>, vector<16xf32>,
      %mul3A_172 = arith.constant 16 : i32
      %mul3A_173 = arith.muli %scan3A_167, %mul3A_172 : i32
      %get3A_174 = arith.index_cast %mul3A_173 : i32 to index
      %get3A_175 = tpu.vector_load %arg8[%get3A_174] {strides = array<i32>} : memref<16384xf32, #tpu.memory_space<vmem>>, vector<16xf32>,
      %sub3A_176 = arith.subf %get3A_171, %broadcast_in_dim3A : vector<16xf32>
      %mul3A_177 = arith.mulf %sub3A_176, %div3A_8 : vector<16xf32>
      %convert_element_type3A_178 = arith.fptosi %mul3A_177 : vector<16xf32> to vector<16xi32>
      %jit3A_179 = arith.constant 0 : i32
      %jit3A_180 = arith.constant 9 : i32
      %max3A_181 = vector.broadcast %jit3A_179 : i32 to vector<16xi32>
      %max3A_182 = arith.maxsi %max3A_181, %convert_element_type3A_178 : vector<16xi32>
      %min3A_183 = vector.broadcast %jit3A_180 : i32 to vector<16xi32>
      %min3A_184 = arith.minsi %min3A_183, %max3A_182 : vector<16xi32>
      %gather3A_185 = tpu.vector_load_idx %arg11[%min3A_184] : memref<16xf32, #tpu.memory_space<vmem>>[vector<16xi32>], vector<16xf32>,
      %sub3A_186 = arith.subf %get3A_175, %get3A_171 : vector<16xf32>
      %mul3A_187 = arith.mulf %sub3A_186, %sub3A_186 : vector<16xf32>
      %mul3A_188 = arith.mulf %gather3A_185, %mul3A_187 : vector<16xf32>
      %add3A_189 = arith.addf %add3A_165, %mul3A_188 : vector<16xf32>
      %scan3A_190 = arith.constant 3 : i32
      %scan3A_191 = arith.addi %scan3A_123, %scan3A_190 : i32
      %mul3A_192 = arith.constant 16 : i32
      %mul3A_193 = arith.muli %scan3A_191, %mul3A_192 : i32
      %get3A_194 = arith.index_cast %mul3A_193 : i32 to index
      %get3A_195 = tpu.vector_load %arg10[%get3A_194] {strides = array<i32>} : memref<16384xf32, #tpu.memory_space<vmem>>, vector<16xf32>,
      %mul3A_196 = arith.constant 16 : i32
      %mul3A_197 = arith.muli %scan3A_191, %mul3A_196 : i32
      %get3A_198 = arith.index_cast %mul3A_197 : i32 to index
      %get3A_199 = tpu.vector_load %arg8[%get3A_198] {strides = array<i32>} : memref<16384xf32, #tpu.memory_space<vmem>>, vector<16xf32>,
      %sub3A_200 = arith.subf %get3A_195, %broadcast_in_dim3A : vector<16xf32>
      %mul3A_201 = arith.mulf %sub3A_200, %div3A_8 : vector<16xf32>
      %convert_element_type3A_202 = arith.fptosi %mul3A_201 : vector<16xf32> to vector<16xi32>
      %jit3A_203 = arith.constant 0 : i32
      %jit3A_204 = arith.constant 9 : i32
      %max3A_205 = vector.broadcast %jit3A_203 : i32 to vector<16xi32>
      %max3A_206 = arith.maxsi %max3A_205, %convert_element_type3A_202 : vector<16xi32>
      %min3A_207 = vector.broadcast %jit3A_204 : i32 to vector<16xi32>
      %min3A_208 = arith.minsi %min3A_207, %max3A_206 : vector<16xi32>
      %gather3A_209 = tpu.vector_load_idx %arg11[%min3A_208] : memref<16xf32, #tpu.memory_space<vmem>>[vector<16xi32>], vector<16xf32>,
      %sub3A_210 = arith.subf %get3A_199, %get3A_195 : vector<16xf32>
      %mul3A_211 = arith.mulf %sub3A_210, %sub3A_210 : vector<16xf32>
      %mul3A_212 = arith.mulf %gather3A_209, %mul3A_211 : vector<16xf32>
      %add3A_213 = arith.addf %add3A_189, %mul3A_212 : vector<16xf32>
      scf.yield %add3A_213 : vector<16xf32>
    }
    %scan3A_45 = arith.constant 1024 : i32
    %add3A_46 = arith.constant 49152 : i32
    %add3A_47 = arith.addi %mul3A_2, %add3A_46 : i32
    %dma_start3A_48 = tpu.memref_slice %arg2[%add3A_47] : memref<8388608xf32, #tpu.memory_space<hbm>> -> memref<16384xf32, #tpu.memory_space<hbm>>
    %dma_start3A_49 = tpu.memref_slice %arg2[%add3A_47] : memref<8388608xf32, #tpu.memory_space<hbm>> -> memref<16384xf32, #tpu.memory_space<hbm>>
    tpu.enqueue_dma source(%dma_start3A_49 : memref<16384xf32, #tpu.memory_space<hbm>>) target(%arg8 : memref<16384xf32, #tpu.memory_space<vmem>>) target_semaphore(%arg15 : memref<!tpu.dma_semaphore, #tpu.memory_space<semaphore_mem>>)
    %dma_start3A_50 = tpu.memref_slice %arg3[%add3A_47] : memref<8388608xf32, #tpu.memory_space<hbm>> -> memref<16384xf32, #tpu.memory_space<hbm>>
    %dma_start3A_51 = tpu.memref_slice %arg3[%add3A_47] : memref<8388608xf32, #tpu.memory_space<hbm>> -> memref<16384xf32, #tpu.memory_space<hbm>>
    tpu.enqueue_dma source(%dma_start3A_51 : memref<16384xf32, #tpu.memory_space<hbm>>) target(%arg10 : memref<16384xf32, #tpu.memory_space<vmem>>) target_semaphore(%arg15 : memref<!tpu.dma_semaphore, #tpu.memory_space<semaphore_mem>>)
    %dma_wait3A_52 = tpu.memref_slice %arg2[%add3A_31] : memref<8388608xf32, #tpu.memory_space<hbm>> -> memref<16384xf32, #tpu.memory_space<hbm>>
    %dma_wait3A_53 = tpu.memref_slice %arg2[%add3A_31] : memref<8388608xf32, #tpu.memory_space<hbm>> -> memref<16384xf32, #tpu.memory_space<hbm>>
    tpu.wait_dma2 semaphore(%arg14 : memref<!tpu.dma_semaphore, #tpu.memory_space<semaphore_mem>>) src(%dma_wait3A_53 : memref<16384xf32, #tpu.memory_space<hbm>>) dst(%arg7 : memref<16384xf32, #tpu.memory_space<vmem>>)
    %dma_wait3A_54 = tpu.memref_slice %arg3[%add3A_31] : memref<8388608xf32, #tpu.memory_space<hbm>> -> memref<16384xf32, #tpu.memory_space<hbm>>
    %dma_wait3A_55 = tpu.memref_slice %arg3[%add3A_31] : memref<8388608xf32, #tpu.memory_space<hbm>> -> memref<16384xf32, #tpu.memory_space<hbm>>
    tpu.wait_dma2 semaphore(%arg14 : memref<!tpu.dma_semaphore, #tpu.memory_space<semaphore_mem>>) src(%dma_wait3A_55 : memref<16384xf32, #tpu.memory_space<hbm>>) dst(%arg9 : memref<16384xf32, #tpu.memory_space<vmem>>)
    %scan3A_56 = arith.constant 0 : i32
    %scan3A_57 = arith.constant 1024 : i32
    %scan3A_58 = arith.addi %scan3A_56, %scan3A_57 : i32
    %scan3A_59 = arith.constant 4 : i32
    %scan3A_60 = scf.for %scan3A_123 = %scan3A_56 to %scan3A_58 step %scan3A_59 iter_args(%scan3A_124 = %scan3A_44) -> (vector<16xf32>)  : i32 {
      %mul3A_125 = arith.constant 16 : i32
      %mul3A_126 = arith.muli %scan3A_123, %mul3A_125 : i32
      %get3A_127 = arith.index_cast %mul3A_126 : i32 to index
      %get3A_128 = tpu.vector_load %arg9[%get3A_127] {strides = array<i32>} : memref<16384xf32, #tpu.memory_space<vmem>>, vector<16xf32>,
      %mul3A_129 = arith.constant 16 : i32
      %mul3A_130 = arith.muli %scan3A_123, %mul3A_129 : i32
      %get3A_131 = arith.index_cast %mul3A_130 : i32 to index
      %get3A_132 = tpu.vector_load %arg7[%get3A_131] {strides = array<i32>} : memref<16384xf32, #tpu.memory_space<vmem>>, vector<16xf32>,
      %sub3A_133 = arith.subf %get3A_128, %broadcast_in_dim3A : vector<16xf32>
      %mul3A_134 = arith.mulf %sub3A_133, %div3A_8 : vector<16xf32>
      %convert_element_type3A = arith.fptosi %mul3A_134 : vector<16xf32> to vector<16xi32>
      %jit3A = arith.constant 0 : i32
      %jit3A_135 = arith.constant 9 : i32
      %max3A = vector.broadcast %jit3A : i32 to vector<16xi32>
      %max3A_136 = arith.maxsi %max3A, %convert_element_type3A : vector<16xi32>
      %min3A = vector.broadcast %jit3A_135 : i32 to vector<16xi32>
      %min3A_137 = arith.minsi %min3A, %max3A_136 : vector<16xi32>
      %gather3A = tpu.vector_load_idx %arg11[%min3A_137] : memref<16xf32, #tpu.memory_space<vmem>>[vector<16xi32>], vector<16xf32>,
      %sub3A_138 = arith.subf %get3A_132, %get3A_128 : vector<16xf32>
      %mul3A_139 = arith.mulf %sub3A_138, %sub3A_138 : vector<16xf32>
      %mul3A_140 = arith.mulf %gather3A, %mul3A_139 : vector<16xf32>
      %add3A_141 = arith.addf %scan3A_124, %mul3A_140 : vector<16xf32>
      %scan3A_142 = arith.constant 1 : i32
      %scan3A_143 = arith.addi %scan3A_123, %scan3A_142 : i32
      %mul3A_144 = arith.constant 16 : i32
      %mul3A_145 = arith.muli %scan3A_143, %mul3A_144 : i32
      %get3A_146 = arith.index_cast %mul3A_145 : i32 to index
      %get3A_147 = tpu.vector_load %arg9[%get3A_146] {strides = array<i32>} : memref<16384xf32, #tpu.memory_space<vmem>>, vector<16xf32>,
      %mul3A_148 = arith.constant 16 : i32
      %mul3A_149 = arith.muli %scan3A_143, %mul3A_148 : i32
      %get3A_150 = arith.index_cast %mul3A_149 : i32 to index
      %get3A_151 = tpu.vector_load %arg7[%get3A_150] {strides = array<i32>} : memref<16384xf32, #tpu.memory_space<vmem>>, vector<16xf32>,
      %sub3A_152 = arith.subf %get3A_147, %broadcast_in_dim3A : vector<16xf32>
      %mul3A_153 = arith.mulf %sub3A_152, %div3A_8 : vector<16xf32>
      %convert_element_type3A_154 = arith.fptosi %mul3A_153 : vector<16xf32> to vector<16xi32>
      %jit3A_155 = arith.constant 0 : i32
      %jit3A_156 = arith.constant 9 : i32
      %max3A_157 = vector.broadcast %jit3A_155 : i32 to vector<16xi32>
      %max3A_158 = arith.maxsi %max3A_157, %convert_element_type3A_154 : vector<16xi32>
      %min3A_159 = vector.broadcast %jit3A_156 : i32 to vector<16xi32>
      %min3A_160 = arith.minsi %min3A_159, %max3A_158 : vector<16xi32>
      %gather3A_161 = tpu.vector_load_idx %arg11[%min3A_160] : memref<16xf32, #tpu.memory_space<vmem>>[vector<16xi32>], vector<16xf32>,
      %sub3A_162 = arith.subf %get3A_151, %get3A_147 : vector<16xf32>
      %mul3A_163 = arith.mulf %sub3A_162, %sub3A_162 : vector<16xf32>
      %mul3A_164 = arith.mulf %gather3A_161, %mul3A_163 : vector<16xf32>
      %add3A_165 = arith.addf %add3A_141, %mul3A_164 : vector<16xf32>
      %scan3A_166 = arith.constant 2 : i32
      %scan3A_167 = arith.addi %scan3A_123, %scan3A_166 : i32
      %mul3A_168 = arith.constant 16 : i32
      %mul3A_169 = arith.muli %scan3A_167, %mul3A_168 : i32
      %get3A_170 = arith.index_cast %mul3A_169 : i32 to index
      %get3A_171 = tpu.vector_load %arg9[%get3A_170] {strides = array<i32>} : memref<16384xf32, #tpu.memory_space<vmem>>, vector<16xf32>,
      %mul3A_172 = arith.constant 16 : i32
      %mul3A_173 = arith.muli %scan3A_167, %mul3A_172 : i32
      %get3A_174 = arith.index_cast %mul3A_173 : i32 to index
      %get3A_175 = tpu.vector_load %arg7[%get3A_174] {strides = array<i32>} : memref<16384xf32, #tpu.memory_space<vmem>>, vector<16xf32>,
      %sub3A_176 = arith.subf %get3A_171, %broadcast_in_dim3A : vector<16xf32>
      %mul3A_177 = arith.mulf %sub3A_176, %div3A_8 : vector<16xf32>
      %convert_element_type3A_178 = arith.fptosi %mul3A_177 : vector<16xf32> to vector<16xi32>
      %jit3A_179 = arith.constant 0 : i32
      %jit3A_180 = arith.constant 9 : i32
      %max3A_181 = vector.broadcast %jit3A_179 : i32 to vector<16xi32>
      %max3A_182 = arith.maxsi %max3A_181, %convert_element_type3A_178 : vector<16xi32>
      %min3A_183 = vector.broadcast %jit3A_180 : i32 to vector<16xi32>
      %min3A_184 = arith.minsi %min3A_183, %max3A_182 : vector<16xi32>
      %gather3A_185 = tpu.vector_load_idx %arg11[%min3A_184] : memref<16xf32, #tpu.memory_space<vmem>>[vector<16xi32>], vector<16xf32>,
      %sub3A_186 = arith.subf %get3A_175, %get3A_171 : vector<16xf32>
      %mul3A_187 = arith.mulf %sub3A_186, %sub3A_186 : vector<16xf32>
      %mul3A_188 = arith.mulf %gather3A_185, %mul3A_187 : vector<16xf32>
      %add3A_189 = arith.addf %add3A_165, %mul3A_188 : vector<16xf32>
      %scan3A_190 = arith.constant 3 : i32
      %scan3A_191 = arith.addi %scan3A_123, %scan3A_190 : i32
      %mul3A_192 = arith.constant 16 : i32
      %mul3A_193 = arith.muli %scan3A_191, %mul3A_192 : i32
      %get3A_194 = arith.index_cast %mul3A_193 : i32 to index
      %get3A_195 = tpu.vector_load %arg9[%get3A_194] {strides = array<i32>} : memref<16384xf32, #tpu.memory_space<vmem>>, vector<16xf32>,
      %mul3A_196 = arith.constant 16 : i32
      %mul3A_197 = arith.muli %scan3A_191, %mul3A_196 : i32
      %get3A_198 = arith.index_cast %mul3A_197 : i32 to index
      %get3A_199 = tpu.vector_load %arg7[%get3A_198] {strides = array<i32>} : memref<16384xf32, #tpu.memory_space<vmem>>, vector<16xf32>,
      %sub3A_200 = arith.subf %get3A_195, %broadcast_in_dim3A : vector<16xf32>
      %mul3A_201 = arith.mulf %sub3A_200, %div3A_8 : vector<16xf32>
      %convert_element_type3A_202 = arith.fptosi %mul3A_201 : vector<16xf32> to vector<16xi32>
      %jit3A_203 = arith.constant 0 : i32
      %jit3A_204 = arith.constant 9 : i32
      %max3A_205 = vector.broadcast %jit3A_203 : i32 to vector<16xi32>
      %max3A_206 = arith.maxsi %max3A_205, %convert_element_type3A_202 : vector<16xi32>
      %min3A_207 = vector.broadcast %jit3A_204 : i32 to vector<16xi32>
      %min3A_208 = arith.minsi %min3A_207, %max3A_206 : vector<16xi32>
      %gather3A_209 = tpu.vector_load_idx %arg11[%min3A_208] : memref<16xf32, #tpu.memory_space<vmem>>[vector<16xi32>], vector<16xf32>,
      %sub3A_210 = arith.subf %get3A_199, %get3A_195 : vector<16xf32>
      %mul3A_211 = arith.mulf %sub3A_210, %sub3A_210 : vector<16xf32>
      %mul3A_212 = arith.mulf %gather3A_209, %mul3A_211 : vector<16xf32>
      %add3A_213 = arith.addf %add3A_189, %mul3A_212 : vector<16xf32>
      scf.yield %add3A_213 : vector<16xf32>
    }
    %scan3A_61 = arith.constant 1024 : i32
    %add3A_62 = arith.constant 65536 : i32
    %add3A_63 = arith.addi %mul3A_2, %add3A_62 : i32
    %dma_start3A_64 = tpu.memref_slice %arg2[%add3A_63] : memref<8388608xf32, #tpu.memory_space<hbm>> -> memref<16384xf32, #tpu.memory_space<hbm>>
    %dma_start3A_65 = tpu.memref_slice %arg2[%add3A_63] : memref<8388608xf32, #tpu.memory_space<hbm>> -> memref<16384xf32, #tpu.memory_space<hbm>>
    tpu.enqueue_dma source(%dma_start3A_65 : memref<16384xf32, #tpu.memory_space<hbm>>) target(%arg7 : memref<16384xf32, #tpu.memory_space<vmem>>) target_semaphore(%arg14 : memref<!tpu.dma_semaphore, #tpu.memory_space<semaphore_mem>>)
    %dma_start3A_66 = tpu.memref_slice %arg3[%add3A_63] : memref<8388608xf32, #tpu.memory_space<hbm>> -> memref<16384xf32, #tpu.memory_space<hbm>>
    %dma_start3A_67 = tpu.memref_slice %arg3[%add3A_63] : memref<8388608xf32, #tpu.memory_space<hbm>> -> memref<16384xf32, #tpu.memory_space<hbm>>
    tpu.enqueue_dma source(%dma_start3A_67 : memref<16384xf32, #tpu.memory_space<hbm>>) target(%arg9 : memref<16384xf32, #tpu.memory_space<vmem>>) target_semaphore(%arg14 : memref<!tpu.dma_semaphore, #tpu.memory_space<semaphore_mem>>)
    %dma_wait3A_68 = tpu.memref_slice %arg2[%add3A_47] : memref<8388608xf32, #tpu.memory_space<hbm>> -> memref<16384xf32, #tpu.memory_space<hbm>>
    %dma_wait3A_69 = tpu.memref_slice %arg2[%add3A_47] : memref<8388608xf32, #tpu.memory_space<hbm>> -> memref<16384xf32, #tpu.memory_space<hbm>>
    tpu.wait_dma2 semaphore(%arg15 : memref<!tpu.dma_semaphore, #tpu.memory_space<semaphore_mem>>) src(%dma_wait3A_69 : memref<16384xf32, #tpu.memory_space<hbm>>) dst(%arg8 : memref<16384xf32, #tpu.memory_space<vmem>>)
    %dma_wait3A_70 = tpu.memref_slice %arg3[%add3A_47] : memref<8388608xf32, #tpu.memory_space<hbm>> -> memref<16384xf32, #tpu.memory_space<hbm>>
    %dma_wait3A_71 = tpu.memref_slice %arg3[%add3A_47] : memref<8388608xf32, #tpu.memory_space<hbm>> -> memref<16384xf32, #tpu.memory_space<hbm>>
    tpu.wait_dma2 semaphore(%arg15 : memref<!tpu.dma_semaphore, #tpu.memory_space<semaphore_mem>>) src(%dma_wait3A_71 : memref<16384xf32, #tpu.memory_space<hbm>>) dst(%arg10 : memref<16384xf32, #tpu.memory_space<vmem>>)
    %scan3A_72 = arith.constant 0 : i32
    %scan3A_73 = arith.constant 1024 : i32
    %scan3A_74 = arith.addi %scan3A_72, %scan3A_73 : i32
    %scan3A_75 = arith.constant 4 : i32
    %scan3A_76 = scf.for %scan3A_123 = %scan3A_72 to %scan3A_74 step %scan3A_75 iter_args(%scan3A_124 = %scan3A_60) -> (vector<16xf32>)  : i32 {
      %mul3A_125 = arith.constant 16 : i32
      %mul3A_126 = arith.muli %scan3A_123, %mul3A_125 : i32
      %get3A_127 = arith.index_cast %mul3A_126 : i32 to index
      %get3A_128 = tpu.vector_load %arg10[%get3A_127] {strides = array<i32>} : memref<16384xf32, #tpu.memory_space<vmem>>, vector<16xf32>,
      %mul3A_129 = arith.constant 16 : i32
      %mul3A_130 = arith.muli %scan3A_123, %mul3A_129 : i32
      %get3A_131 = arith.index_cast %mul3A_130 : i32 to index
      %get3A_132 = tpu.vector_load %arg8[%get3A_131] {strides = array<i32>} : memref<16384xf32, #tpu.memory_space<vmem>>, vector<16xf32>,
      %sub3A_133 = arith.subf %get3A_128, %broadcast_in_dim3A : vector<16xf32>
      %mul3A_134 = arith.mulf %sub3A_133, %div3A_8 : vector<16xf32>
      %convert_element_type3A = arith.fptosi %mul3A_134 : vector<16xf32> to vector<16xi32>
      %jit3A = arith.constant 0 : i32
      %jit3A_135 = arith.constant 9 : i32
      %max3A = vector.broadcast %jit3A : i32 to vector<16xi32>
      %max3A_136 = arith.maxsi %max3A, %convert_element_type3A : vector<16xi32>
      %min3A = vector.broadcast %jit3A_135 : i32 to vector<16xi32>
      %min3A_137 = arith.minsi %min3A, %max3A_136 : vector<16xi32>
      %gather3A = tpu.vector_load_idx %arg11[%min3A_137] : memref<16xf32, #tpu.memory_space<vmem>>[vector<16xi32>], vector<16xf32>,
      %sub3A_138 = arith.subf %get3A_132, %get3A_128 : vector<16xf32>
      %mul3A_139 = arith.mulf %sub3A_138, %sub3A_138 : vector<16xf32>
      %mul3A_140 = arith.mulf %gather3A, %mul3A_139 : vector<16xf32>
      %add3A_141 = arith.addf %scan3A_124, %mul3A_140 : vector<16xf32>
      %scan3A_142 = arith.constant 1 : i32
      %scan3A_143 = arith.addi %scan3A_123, %scan3A_142 : i32
      %mul3A_144 = arith.constant 16 : i32
      %mul3A_145 = arith.muli %scan3A_143, %mul3A_144 : i32
      %get3A_146 = arith.index_cast %mul3A_145 : i32 to index
      %get3A_147 = tpu.vector_load %arg10[%get3A_146] {strides = array<i32>} : memref<16384xf32, #tpu.memory_space<vmem>>, vector<16xf32>,
      %mul3A_148 = arith.constant 16 : i32
      %mul3A_149 = arith.muli %scan3A_143, %mul3A_148 : i32
      %get3A_150 = arith.index_cast %mul3A_149 : i32 to index
      %get3A_151 = tpu.vector_load %arg8[%get3A_150] {strides = array<i32>} : memref<16384xf32, #tpu.memory_space<vmem>>, vector<16xf32>,
      %sub3A_152 = arith.subf %get3A_147, %broadcast_in_dim3A : vector<16xf32>
      %mul3A_153 = arith.mulf %sub3A_152, %div3A_8 : vector<16xf32>
      %convert_element_type3A_154 = arith.fptosi %mul3A_153 : vector<16xf32> to vector<16xi32>
      %jit3A_155 = arith.constant 0 : i32
      %jit3A_156 = arith.constant 9 : i32
      %max3A_157 = vector.broadcast %jit3A_155 : i32 to vector<16xi32>
      %max3A_158 = arith.maxsi %max3A_157, %convert_element_type3A_154 : vector<16xi32>
      %min3A_159 = vector.broadcast %jit3A_156 : i32 to vector<16xi32>
      %min3A_160 = arith.minsi %min3A_159, %max3A_158 : vector<16xi32>
      %gather3A_161 = tpu.vector_load_idx %arg11[%min3A_160] : memref<16xf32, #tpu.memory_space<vmem>>[vector<16xi32>], vector<16xf32>,
      %sub3A_162 = arith.subf %get3A_151, %get3A_147 : vector<16xf32>
      %mul3A_163 = arith.mulf %sub3A_162, %sub3A_162 : vector<16xf32>
      %mul3A_164 = arith.mulf %gather3A_161, %mul3A_163 : vector<16xf32>
      %add3A_165 = arith.addf %add3A_141, %mul3A_164 : vector<16xf32>
      %scan3A_166 = arith.constant 2 : i32
      %scan3A_167 = arith.addi %scan3A_123, %scan3A_166 : i32
      %mul3A_168 = arith.constant 16 : i32
      %mul3A_169 = arith.muli %scan3A_167, %mul3A_168 : i32
      %get3A_170 = arith.index_cast %mul3A_169 : i32 to index
      %get3A_171 = tpu.vector_load %arg10[%get3A_170] {strides = array<i32>} : memref<16384xf32, #tpu.memory_space<vmem>>, vector<16xf32>,
      %mul3A_172 = arith.constant 16 : i32
      %mul3A_173 = arith.muli %scan3A_167, %mul3A_172 : i32
      %get3A_174 = arith.index_cast %mul3A_173 : i32 to index
      %get3A_175 = tpu.vector_load %arg8[%get3A_174] {strides = array<i32>} : memref<16384xf32, #tpu.memory_space<vmem>>, vector<16xf32>,
      %sub3A_176 = arith.subf %get3A_171, %broadcast_in_dim3A : vector<16xf32>
      %mul3A_177 = arith.mulf %sub3A_176, %div3A_8 : vector<16xf32>
      %convert_element_type3A_178 = arith.fptosi %mul3A_177 : vector<16xf32> to vector<16xi32>
      %jit3A_179 = arith.constant 0 : i32
      %jit3A_180 = arith.constant 9 : i32
      %max3A_181 = vector.broadcast %jit3A_179 : i32 to vector<16xi32>
      %max3A_182 = arith.maxsi %max3A_181, %convert_element_type3A_178 : vector<16xi32>
      %min3A_183 = vector.broadcast %jit3A_180 : i32 to vector<16xi32>
      %min3A_184 = arith.minsi %min3A_183, %max3A_182 : vector<16xi32>
      %gather3A_185 = tpu.vector_load_idx %arg11[%min3A_184] : memref<16xf32, #tpu.memory_space<vmem>>[vector<16xi32>], vector<16xf32>,
      %sub3A_186 = arith.subf %get3A_175, %get3A_171 : vector<16xf32>
      %mul3A_187 = arith.mulf %sub3A_186, %sub3A_186 : vector<16xf32>
      %mul3A_188 = arith.mulf %gather3A_185, %mul3A_187 : vector<16xf32>
      %add3A_189 = arith.addf %add3A_165, %mul3A_188 : vector<16xf32>
      %scan3A_190 = arith.constant 3 : i32
      %scan3A_191 = arith.addi %scan3A_123, %scan3A_190 : i32
      %mul3A_192 = arith.constant 16 : i32
      %mul3A_193 = arith.muli %scan3A_191, %mul3A_192 : i32
      %get3A_194 = arith.index_cast %mul3A_193 : i32 to index
      %get3A_195 = tpu.vector_load %arg10[%get3A_194] {strides = array<i32>} : memref<16384xf32, #tpu.memory_space<vmem>>, vector<16xf32>,
      %mul3A_196 = arith.constant 16 : i32
      %mul3A_197 = arith.muli %scan3A_191, %mul3A_196 : i32
      %get3A_198 = arith.index_cast %mul3A_197 : i32 to index
      %get3A_199 = tpu.vector_load %arg8[%get3A_198] {strides = array<i32>} : memref<16384xf32, #tpu.memory_space<vmem>>, vector<16xf32>,
      %sub3A_200 = arith.subf %get3A_195, %broadcast_in_dim3A : vector<16xf32>
      %mul3A_201 = arith.mulf %sub3A_200, %div3A_8 : vector<16xf32>
      %convert_element_type3A_202 = arith.fptosi %mul3A_201 : vector<16xf32> to vector<16xi32>
      %jit3A_203 = arith.constant 0 : i32
      %jit3A_204 = arith.constant 9 : i32
      %max3A_205 = vector.broadcast %jit3A_203 : i32 to vector<16xi32>
      %max3A_206 = arith.maxsi %max3A_205, %convert_element_type3A_202 : vector<16xi32>
      %min3A_207 = vector.broadcast %jit3A_204 : i32 to vector<16xi32>
      %min3A_208 = arith.minsi %min3A_207, %max3A_206 : vector<16xi32>
      %gather3A_209 = tpu.vector_load_idx %arg11[%min3A_208] : memref<16xf32, #tpu.memory_space<vmem>>[vector<16xi32>], vector<16xf32>,
      %sub3A_210 = arith.subf %get3A_199, %get3A_195 : vector<16xf32>
      %mul3A_211 = arith.mulf %sub3A_210, %sub3A_210 : vector<16xf32>
      %mul3A_212 = arith.mulf %gather3A_209, %mul3A_211 : vector<16xf32>
      %add3A_213 = arith.addf %add3A_189, %mul3A_212 : vector<16xf32>
      scf.yield %add3A_213 : vector<16xf32>
    }
    %scan3A_77 = arith.constant 1024 : i32
    %add3A_78 = arith.constant 81920 : i32
    %add3A_79 = arith.addi %mul3A_2, %add3A_78 : i32
    %dma_start3A_80 = tpu.memref_slice %arg2[%add3A_79] : memref<8388608xf32, #tpu.memory_space<hbm>> -> memref<16384xf32, #tpu.memory_space<hbm>>
    %dma_start3A_81 = tpu.memref_slice %arg2[%add3A_79] : memref<8388608xf32, #tpu.memory_space<hbm>> -> memref<16384xf32, #tpu.memory_space<hbm>>
    tpu.enqueue_dma source(%dma_start3A_81 : memref<16384xf32, #tpu.memory_space<hbm>>) target(%arg8 : memref<16384xf32, #tpu.memory_space<vmem>>) target_semaphore(%arg15 : memref<!tpu.dma_semaphore, #tpu.memory_space<semaphore_mem>>)
    %dma_start3A_82 = tpu.memref_slice %arg3[%add3A_79] : memref<8388608xf32, #tpu.memory_space<hbm>> -> memref<16384xf32, #tpu.memory_space<hbm>>
    %dma_start3A_83 = tpu.memref_slice %arg3[%add3A_79] : memref<8388608xf32, #tpu.memory_space<hbm>> -> memref<16384xf32, #tpu.memory_space<hbm>>
    tpu.enqueue_dma source(%dma_start3A_83 : memref<16384xf32, #tpu.memory_space<hbm>>) target(%arg10 : memref<16384xf32, #tpu.memory_space<vmem>>) target_semaphore(%arg15 : memref<!tpu.dma_semaphore, #tpu.memory_space<semaphore_mem>>)
    %dma_wait3A_84 = tpu.memref_slice %arg2[%add3A_63] : memref<8388608xf32, #tpu.memory_space<hbm>> -> memref<16384xf32, #tpu.memory_space<hbm>>
    %dma_wait3A_85 = tpu.memref_slice %arg2[%add3A_63] : memref<8388608xf32, #tpu.memory_space<hbm>> -> memref<16384xf32, #tpu.memory_space<hbm>>
    tpu.wait_dma2 semaphore(%arg14 : memref<!tpu.dma_semaphore, #tpu.memory_space<semaphore_mem>>) src(%dma_wait3A_85 : memref<16384xf32, #tpu.memory_space<hbm>>) dst(%arg7 : memref<16384xf32, #tpu.memory_space<vmem>>)
    %dma_wait3A_86 = tpu.memref_slice %arg3[%add3A_63] : memref<8388608xf32, #tpu.memory_space<hbm>> -> memref<16384xf32, #tpu.memory_space<hbm>>
    %dma_wait3A_87 = tpu.memref_slice %arg3[%add3A_63] : memref<8388608xf32, #tpu.memory_space<hbm>> -> memref<16384xf32, #tpu.memory_space<hbm>>
    tpu.wait_dma2 semaphore(%arg14 : memref<!tpu.dma_semaphore, #tpu.memory_space<semaphore_mem>>) src(%dma_wait3A_87 : memref<16384xf32, #tpu.memory_space<hbm>>) dst(%arg9 : memref<16384xf32, #tpu.memory_space<vmem>>)
    %scan3A_88 = arith.constant 0 : i32
    %scan3A_89 = arith.constant 1024 : i32
    %scan3A_90 = arith.addi %scan3A_88, %scan3A_89 : i32
    %scan3A_91 = arith.constant 4 : i32
    %scan3A_92 = scf.for %scan3A_123 = %scan3A_88 to %scan3A_90 step %scan3A_91 iter_args(%scan3A_124 = %scan3A_76) -> (vector<16xf32>)  : i32 {
      %mul3A_125 = arith.constant 16 : i32
      %mul3A_126 = arith.muli %scan3A_123, %mul3A_125 : i32
      %get3A_127 = arith.index_cast %mul3A_126 : i32 to index
      %get3A_128 = tpu.vector_load %arg9[%get3A_127] {strides = array<i32>} : memref<16384xf32, #tpu.memory_space<vmem>>, vector<16xf32>,
      %mul3A_129 = arith.constant 16 : i32
      %mul3A_130 = arith.muli %scan3A_123, %mul3A_129 : i32
      %get3A_131 = arith.index_cast %mul3A_130 : i32 to index
      %get3A_132 = tpu.vector_load %arg7[%get3A_131] {strides = array<i32>} : memref<16384xf32, #tpu.memory_space<vmem>>, vector<16xf32>,
      %sub3A_133 = arith.subf %get3A_128, %broadcast_in_dim3A : vector<16xf32>
      %mul3A_134 = arith.mulf %sub3A_133, %div3A_8 : vector<16xf32>
      %convert_element_type3A = arith.fptosi %mul3A_134 : vector<16xf32> to vector<16xi32>
      %jit3A = arith.constant 0 : i32
      %jit3A_135 = arith.constant 9 : i32
      %max3A = vector.broadcast %jit3A : i32 to vector<16xi32>
      %max3A_136 = arith.maxsi %max3A, %convert_element_type3A : vector<16xi32>
      %min3A = vector.broadcast %jit3A_135 : i32 to vector<16xi32>
      %min3A_137 = arith.minsi %min3A, %max3A_136 : vector<16xi32>
      %gather3A = tpu.vector_load_idx %arg11[%min3A_137] : memref<16xf32, #tpu.memory_space<vmem>>[vector<16xi32>], vector<16xf32>,
      %sub3A_138 = arith.subf %get3A_132, %get3A_128 : vector<16xf32>
      %mul3A_139 = arith.mulf %sub3A_138, %sub3A_138 : vector<16xf32>
      %mul3A_140 = arith.mulf %gather3A, %mul3A_139 : vector<16xf32>
      %add3A_141 = arith.addf %scan3A_124, %mul3A_140 : vector<16xf32>
      %scan3A_142 = arith.constant 1 : i32
      %scan3A_143 = arith.addi %scan3A_123, %scan3A_142 : i32
      %mul3A_144 = arith.constant 16 : i32
      %mul3A_145 = arith.muli %scan3A_143, %mul3A_144 : i32
      %get3A_146 = arith.index_cast %mul3A_145 : i32 to index
      %get3A_147 = tpu.vector_load %arg9[%get3A_146] {strides = array<i32>} : memref<16384xf32, #tpu.memory_space<vmem>>, vector<16xf32>,
      %mul3A_148 = arith.constant 16 : i32
      %mul3A_149 = arith.muli %scan3A_143, %mul3A_148 : i32
      %get3A_150 = arith.index_cast %mul3A_149 : i32 to index
      %get3A_151 = tpu.vector_load %arg7[%get3A_150] {strides = array<i32>} : memref<16384xf32, #tpu.memory_space<vmem>>, vector<16xf32>,
      %sub3A_152 = arith.subf %get3A_147, %broadcast_in_dim3A : vector<16xf32>
      %mul3A_153 = arith.mulf %sub3A_152, %div3A_8 : vector<16xf32>
      %convert_element_type3A_154 = arith.fptosi %mul3A_153 : vector<16xf32> to vector<16xi32>
      %jit3A_155 = arith.constant 0 : i32
      %jit3A_156 = arith.constant 9 : i32
      %max3A_157 = vector.broadcast %jit3A_155 : i32 to vector<16xi32>
      %max3A_158 = arith.maxsi %max3A_157, %convert_element_type3A_154 : vector<16xi32>
      %min3A_159 = vector.broadcast %jit3A_156 : i32 to vector<16xi32>
      %min3A_160 = arith.minsi %min3A_159, %max3A_158 : vector<16xi32>
      %gather3A_161 = tpu.vector_load_idx %arg11[%min3A_160] : memref<16xf32, #tpu.memory_space<vmem>>[vector<16xi32>], vector<16xf32>,
      %sub3A_162 = arith.subf %get3A_151, %get3A_147 : vector<16xf32>
      %mul3A_163 = arith.mulf %sub3A_162, %sub3A_162 : vector<16xf32>
      %mul3A_164 = arith.mulf %gather3A_161, %mul3A_163 : vector<16xf32>
      %add3A_165 = arith.addf %add3A_141, %mul3A_164 : vector<16xf32>
      %scan3A_166 = arith.constant 2 : i32
      %scan3A_167 = arith.addi %scan3A_123, %scan3A_166 : i32
      %mul3A_168 = arith.constant 16 : i32
      %mul3A_169 = arith.muli %scan3A_167, %mul3A_168 : i32
      %get3A_170 = arith.index_cast %mul3A_169 : i32 to index
      %get3A_171 = tpu.vector_load %arg9[%get3A_170] {strides = array<i32>} : memref<16384xf32, #tpu.memory_space<vmem>>, vector<16xf32>,
      %mul3A_172 = arith.constant 16 : i32
      %mul3A_173 = arith.muli %scan3A_167, %mul3A_172 : i32
      %get3A_174 = arith.index_cast %mul3A_173 : i32 to index
      %get3A_175 = tpu.vector_load %arg7[%get3A_174] {strides = array<i32>} : memref<16384xf32, #tpu.memory_space<vmem>>, vector<16xf32>,
      %sub3A_176 = arith.subf %get3A_171, %broadcast_in_dim3A : vector<16xf32>
      %mul3A_177 = arith.mulf %sub3A_176, %div3A_8 : vector<16xf32>
      %convert_element_type3A_178 = arith.fptosi %mul3A_177 : vector<16xf32> to vector<16xi32>
      %jit3A_179 = arith.constant 0 : i32
      %jit3A_180 = arith.constant 9 : i32
      %max3A_181 = vector.broadcast %jit3A_179 : i32 to vector<16xi32>
      %max3A_182 = arith.maxsi %max3A_181, %convert_element_type3A_178 : vector<16xi32>
      %min3A_183 = vector.broadcast %jit3A_180 : i32 to vector<16xi32>
      %min3A_184 = arith.minsi %min3A_183, %max3A_182 : vector<16xi32>
      %gather3A_185 = tpu.vector_load_idx %arg11[%min3A_184] : memref<16xf32, #tpu.memory_space<vmem>>[vector<16xi32>], vector<16xf32>,
      %sub3A_186 = arith.subf %get3A_175, %get3A_171 : vector<16xf32>
      %mul3A_187 = arith.mulf %sub3A_186, %sub3A_186 : vector<16xf32>
      %mul3A_188 = arith.mulf %gather3A_185, %mul3A_187 : vector<16xf32>
      %add3A_189 = arith.addf %add3A_165, %mul3A_188 : vector<16xf32>
      %scan3A_190 = arith.constant 3 : i32
      %scan3A_191 = arith.addi %scan3A_123, %scan3A_190 : i32
      %mul3A_192 = arith.constant 16 : i32
      %mul3A_193 = arith.muli %scan3A_191, %mul3A_192 : i32
      %get3A_194 = arith.index_cast %mul3A_193 : i32 to index
      %get3A_195 = tpu.vector_load %arg9[%get3A_194] {strides = array<i32>} : memref<16384xf32, #tpu.memory_space<vmem>>, vector<16xf32>,
      %mul3A_196 = arith.constant 16 : i32
      %mul3A_197 = arith.muli %scan3A_191, %mul3A_196 : i32
      %get3A_198 = arith.index_cast %mul3A_197 : i32 to index
      %get3A_199 = tpu.vector_load %arg7[%get3A_198] {strides = array<i32>} : memref<16384xf32, #tpu.memory_space<vmem>>, vector<16xf32>,
      %sub3A_200 = arith.subf %get3A_195, %broadcast_in_dim3A : vector<16xf32>
      %mul3A_201 = arith.mulf %sub3A_200, %div3A_8 : vector<16xf32>
      %convert_element_type3A_202 = arith.fptosi %mul3A_201 : vector<16xf32> to vector<16xi32>
      %jit3A_203 = arith.constant 0 : i32
      %jit3A_204 = arith.constant 9 : i32
      %max3A_205 = vector.broadcast %jit3A_203 : i32 to vector<16xi32>
      %max3A_206 = arith.maxsi %max3A_205, %convert_element_type3A_202 : vector<16xi32>
      %min3A_207 = vector.broadcast %jit3A_204 : i32 to vector<16xi32>
      %min3A_208 = arith.minsi %min3A_207, %max3A_206 : vector<16xi32>
      %gather3A_209 = tpu.vector_load_idx %arg11[%min3A_208] : memref<16xf32, #tpu.memory_space<vmem>>[vector<16xi32>], vector<16xf32>,
      %sub3A_210 = arith.subf %get3A_199, %get3A_195 : vector<16xf32>
      %mul3A_211 = arith.mulf %sub3A_210, %sub3A_210 : vector<16xf32>
      %mul3A_212 = arith.mulf %gather3A_209, %mul3A_211 : vector<16xf32>
      %add3A_213 = arith.addf %add3A_189, %mul3A_212 : vector<16xf32>
      scf.yield %add3A_213 : vector<16xf32>
    }
    %scan3A_93 = arith.constant 1024 : i32
    %add3A_94 = arith.constant 98304 : i32
    %add3A_95 = arith.addi %mul3A_2, %add3A_94 : i32
    %dma_start3A_96 = tpu.memref_slice %arg2[%add3A_95] : memref<8388608xf32, #tpu.memory_space<hbm>> -> memref<16384xf32, #tpu.memory_space<hbm>>
    %dma_start3A_97 = tpu.memref_slice %arg2[%add3A_95] : memref<8388608xf32, #tpu.memory_space<hbm>> -> memref<16384xf32, #tpu.memory_space<hbm>>
    tpu.enqueue_dma source(%dma_start3A_97 : memref<16384xf32, #tpu.memory_space<hbm>>) target(%arg7 : memref<16384xf32, #tpu.memory_space<vmem>>) target_semaphore(%arg14 : memref<!tpu.dma_semaphore, #tpu.memory_space<semaphore_mem>>)
    %dma_start3A_98 = tpu.memref_slice %arg3[%add3A_95] : memref<8388608xf32, #tpu.memory_space<hbm>> -> memref<16384xf32, #tpu.memory_space<hbm>>
    %dma_start3A_99 = tpu.memref_slice %arg3[%add3A_95] : memref<8388608xf32, #tpu.memory_space<hbm>> -> memref<16384xf32, #tpu.memory_space<hbm>>
    tpu.enqueue_dma source(%dma_start3A_99 : memref<16384xf32, #tpu.memory_space<hbm>>) target(%arg9 : memref<16384xf32, #tpu.memory_space<vmem>>) target_semaphore(%arg14 : memref<!tpu.dma_semaphore, #tpu.memory_space<semaphore_mem>>)
    %dma_wait3A_100 = tpu.memref_slice %arg2[%add3A_79] : memref<8388608xf32, #tpu.memory_space<hbm>> -> memref<16384xf32, #tpu.memory_space<hbm>>
    %dma_wait3A_101 = tpu.memref_slice %arg2[%add3A_79] : memref<8388608xf32, #tpu.memory_space<hbm>> -> memref<16384xf32, #tpu.memory_space<hbm>>
    tpu.wait_dma2 semaphore(%arg15 : memref<!tpu.dma_semaphore, #tpu.memory_space<semaphore_mem>>) src(%dma_wait3A_101 : memref<16384xf32, #tpu.memory_space<hbm>>) dst(%arg8 : memref<16384xf32, #tpu.memory_space<vmem>>)
    %dma_wait3A_102 = tpu.memref_slice %arg3[%add3A_79] : memref<8388608xf32, #tpu.memory_space<hbm>> -> memref<16384xf32, #tpu.memory_space<hbm>>
    %dma_wait3A_103 = tpu.memref_slice %arg3[%add3A_79] : memref<8388608xf32, #tpu.memory_space<hbm>> -> memref<16384xf32, #tpu.memory_space<hbm>>
    tpu.wait_dma2 semaphore(%arg15 : memref<!tpu.dma_semaphore, #tpu.memory_space<semaphore_mem>>) src(%dma_wait3A_103 : memref<16384xf32, #tpu.memory_space<hbm>>) dst(%arg10 : memref<16384xf32, #tpu.memory_space<vmem>>)
    %scan3A_104 = arith.constant 0 : i32
    %scan3A_105 = arith.constant 1024 : i32
    %scan3A_106 = arith.addi %scan3A_104, %scan3A_105 : i32
    %scan3A_107 = arith.constant 4 : i32
    %scan3A_108 = scf.for %scan3A_123 = %scan3A_104 to %scan3A_106 step %scan3A_107 iter_args(%scan3A_124 = %scan3A_92) -> (vector<16xf32>)  : i32 {
      %mul3A_125 = arith.constant 16 : i32
      %mul3A_126 = arith.muli %scan3A_123, %mul3A_125 : i32
      %get3A_127 = arith.index_cast %mul3A_126 : i32 to index
      %get3A_128 = tpu.vector_load %arg10[%get3A_127] {strides = array<i32>} : memref<16384xf32, #tpu.memory_space<vmem>>, vector<16xf32>,
      %mul3A_129 = arith.constant 16 : i32
      %mul3A_130 = arith.muli %scan3A_123, %mul3A_129 : i32
      %get3A_131 = arith.index_cast %mul3A_130 : i32 to index
      %get3A_132 = tpu.vector_load %arg8[%get3A_131] {strides = array<i32>} : memref<16384xf32, #tpu.memory_space<vmem>>, vector<16xf32>,
      %sub3A_133 = arith.subf %get3A_128, %broadcast_in_dim3A : vector<16xf32>
      %mul3A_134 = arith.mulf %sub3A_133, %div3A_8 : vector<16xf32>
      %convert_element_type3A = arith.fptosi %mul3A_134 : vector<16xf32> to vector<16xi32>
      %jit3A = arith.constant 0 : i32
      %jit3A_135 = arith.constant 9 : i32
      %max3A = vector.broadcast %jit3A : i32 to vector<16xi32>
      %max3A_136 = arith.maxsi %max3A, %convert_element_type3A : vector<16xi32>
      %min3A = vector.broadcast %jit3A_135 : i32 to vector<16xi32>
      %min3A_137 = arith.minsi %min3A, %max3A_136 : vector<16xi32>
      %gather3A = tpu.vector_load_idx %arg11[%min3A_137] : memref<16xf32, #tpu.memory_space<vmem>>[vector<16xi32>], vector<16xf32>,
      %sub3A_138 = arith.subf %get3A_132, %get3A_128 : vector<16xf32>
      %mul3A_139 = arith.mulf %sub3A_138, %sub3A_138 : vector<16xf32>
      %mul3A_140 = arith.mulf %gather3A, %mul3A_139 : vector<16xf32>
      %add3A_141 = arith.addf %scan3A_124, %mul3A_140 : vector<16xf32>
      %scan3A_142 = arith.constant 1 : i32
      %scan3A_143 = arith.addi %scan3A_123, %scan3A_142 : i32
      %mul3A_144 = arith.constant 16 : i32
      %mul3A_145 = arith.muli %scan3A_143, %mul3A_144 : i32
      %get3A_146 = arith.index_cast %mul3A_145 : i32 to index
      %get3A_147 = tpu.vector_load %arg10[%get3A_146] {strides = array<i32>} : memref<16384xf32, #tpu.memory_space<vmem>>, vector<16xf32>,
      %mul3A_148 = arith.constant 16 : i32
      %mul3A_149 = arith.muli %scan3A_143, %mul3A_148 : i32
      %get3A_150 = arith.index_cast %mul3A_149 : i32 to index
      %get3A_151 = tpu.vector_load %arg8[%get3A_150] {strides = array<i32>} : memref<16384xf32, #tpu.memory_space<vmem>>, vector<16xf32>,
      %sub3A_152 = arith.subf %get3A_147, %broadcast_in_dim3A : vector<16xf32>
      %mul3A_153 = arith.mulf %sub3A_152, %div3A_8 : vector<16xf32>
      %convert_element_type3A_154 = arith.fptosi %mul3A_153 : vector<16xf32> to vector<16xi32>
      %jit3A_155 = arith.constant 0 : i32
      %jit3A_156 = arith.constant 9 : i32
      %max3A_157 = vector.broadcast %jit3A_155 : i32 to vector<16xi32>
      %max3A_158 = arith.maxsi %max3A_157, %convert_element_type3A_154 : vector<16xi32>
      %min3A_159 = vector.broadcast %jit3A_156 : i32 to vector<16xi32>
      %min3A_160 = arith.minsi %min3A_159, %max3A_158 : vector<16xi32>
      %gather3A_161 = tpu.vector_load_idx %arg11[%min3A_160] : memref<16xf32, #tpu.memory_space<vmem>>[vector<16xi32>], vector<16xf32>,
      %sub3A_162 = arith.subf %get3A_151, %get3A_147 : vector<16xf32>
      %mul3A_163 = arith.mulf %sub3A_162, %sub3A_162 : vector<16xf32>
      %mul3A_164 = arith.mulf %gather3A_161, %mul3A_163 : vector<16xf32>
      %add3A_165 = arith.addf %add3A_141, %mul3A_164 : vector<16xf32>
      %scan3A_166 = arith.constant 2 : i32
      %scan3A_167 = arith.addi %scan3A_123, %scan3A_166 : i32
      %mul3A_168 = arith.constant 16 : i32
      %mul3A_169 = arith.muli %scan3A_167, %mul3A_168 : i32
      %get3A_170 = arith.index_cast %mul3A_169 : i32 to index
      %get3A_171 = tpu.vector_load %arg10[%get3A_170] {strides = array<i32>} : memref<16384xf32, #tpu.memory_space<vmem>>, vector<16xf32>,
      %mul3A_172 = arith.constant 16 : i32
      %mul3A_173 = arith.muli %scan3A_167, %mul3A_172 : i32
      %get3A_174 = arith.index_cast %mul3A_173 : i32 to index
      %get3A_175 = tpu.vector_load %arg8[%get3A_174] {strides = array<i32>} : memref<16384xf32, #tpu.memory_space<vmem>>, vector<16xf32>,
      %sub3A_176 = arith.subf %get3A_171, %broadcast_in_dim3A : vector<16xf32>
      %mul3A_177 = arith.mulf %sub3A_176, %div3A_8 : vector<16xf32>
      %convert_element_type3A_178 = arith.fptosi %mul3A_177 : vector<16xf32> to vector<16xi32>
      %jit3A_179 = arith.constant 0 : i32
      %jit3A_180 = arith.constant 9 : i32
      %max3A_181 = vector.broadcast %jit3A_179 : i32 to vector<16xi32>
      %max3A_182 = arith.maxsi %max3A_181, %convert_element_type3A_178 : vector<16xi32>
      %min3A_183 = vector.broadcast %jit3A_180 : i32 to vector<16xi32>
      %min3A_184 = arith.minsi %min3A_183, %max3A_182 : vector<16xi32>
      %gather3A_185 = tpu.vector_load_idx %arg11[%min3A_184] : memref<16xf32, #tpu.memory_space<vmem>>[vector<16xi32>], vector<16xf32>,
      %sub3A_186 = arith.subf %get3A_175, %get3A_171 : vector<16xf32>
      %mul3A_187 = arith.mulf %sub3A_186, %sub3A_186 : vector<16xf32>
      %mul3A_188 = arith.mulf %gather3A_185, %mul3A_187 : vector<16xf32>
      %add3A_189 = arith.addf %add3A_165, %mul3A_188 : vector<16xf32>
      %scan3A_190 = arith.constant 3 : i32
      %scan3A_191 = arith.addi %scan3A_123, %scan3A_190 : i32
      %mul3A_192 = arith.constant 16 : i32
      %mul3A_193 = arith.muli %scan3A_191, %mul3A_192 : i32
      %get3A_194 = arith.index_cast %mul3A_193 : i32 to index
      %get3A_195 = tpu.vector_load %arg10[%get3A_194] {strides = array<i32>} : memref<16384xf32, #tpu.memory_space<vmem>>, vector<16xf32>,
      %mul3A_196 = arith.constant 16 : i32
      %mul3A_197 = arith.muli %scan3A_191, %mul3A_196 : i32
      %get3A_198 = arith.index_cast %mul3A_197 : i32 to index
      %get3A_199 = tpu.vector_load %arg8[%get3A_198] {strides = array<i32>} : memref<16384xf32, #tpu.memory_space<vmem>>, vector<16xf32>,
      %sub3A_200 = arith.subf %get3A_195, %broadcast_in_dim3A : vector<16xf32>
      %mul3A_201 = arith.mulf %sub3A_200, %div3A_8 : vector<16xf32>
      %convert_element_type3A_202 = arith.fptosi %mul3A_201 : vector<16xf32> to vector<16xi32>
      %jit3A_203 = arith.constant 0 : i32
      %jit3A_204 = arith.constant 9 : i32
      %max3A_205 = vector.broadcast %jit3A_203 : i32 to vector<16xi32>
      %max3A_206 = arith.maxsi %max3A_205, %convert_element_type3A_202 : vector<16xi32>
      %min3A_207 = vector.broadcast %jit3A_204 : i32 to vector<16xi32>
      %min3A_208 = arith.minsi %min3A_207, %max3A_206 : vector<16xi32>
      %gather3A_209 = tpu.vector_load_idx %arg11[%min3A_208] : memref<16xf32, #tpu.memory_space<vmem>>[vector<16xi32>], vector<16xf32>,
      %sub3A_210 = arith.subf %get3A_199, %get3A_195 : vector<16xf32>
      %mul3A_211 = arith.mulf %sub3A_210, %sub3A_210 : vector<16xf32>
      %mul3A_212 = arith.mulf %gather3A_209, %mul3A_211 : vector<16xf32>
      %add3A_213 = arith.addf %add3A_189, %mul3A_212 : vector<16xf32>
      scf.yield %add3A_213 : vector<16xf32>
    }
    %scan3A_109 = arith.constant 1024 : i32
    %dma_wait3A_110 = tpu.memref_slice %arg2[%add3A_95] : memref<8388608xf32, #tpu.memory_space<hbm>> -> memref<16384xf32, #tpu.memory_space<hbm>>
    %dma_wait3A_111 = tpu.memref_slice %arg2[%add3A_95] : memref<8388608xf32, #tpu.memory_space<hbm>> -> memref<16384xf32, #tpu.memory_space<hbm>>
    tpu.wait_dma2 semaphore(%arg14 : memref<!tpu.dma_semaphore, #tpu.memory_space<semaphore_mem>>) src(%dma_wait3A_111 : memref<16384xf32, #tpu.memory_space<hbm>>) dst(%arg7 : memref<16384xf32, #tpu.memory_space<vmem>>)
    %dma_wait3A_112 = tpu.memref_slice %arg3[%add3A_95] : memref<8388608xf32, #tpu.memory_space<hbm>> -> memref<16384xf32, #tpu.memory_space<hbm>>
    %dma_wait3A_113 = tpu.memref_slice %arg3[%add3A_95] : memref<8388608xf32, #tpu.memory_space<hbm>> -> memref<16384xf32, #tpu.memory_space<hbm>>
    tpu.wait_dma2 semaphore(%arg14 : memref<!tpu.dma_semaphore, #tpu.memory_space<semaphore_mem>>) src(%dma_wait3A_113 : memref<16384xf32, #tpu.memory_space<hbm>>) dst(%arg9 : memref<16384xf32, #tpu.memory_space<vmem>>)
    %scan3A_114 = arith.constant 0 : i32
    %scan3A_115 = arith.constant 1024 : i32
    %scan3A_116 = arith.addi %scan3A_114, %scan3A_115 : i32
    %scan3A_117 = arith.constant 4 : i32
    %scan3A_118 = scf.for %scan3A_123 = %scan3A_114 to %scan3A_116 step %scan3A_117 iter_args(%scan3A_124 = %scan3A_108) -> (vector<16xf32>)  : i32 {
      %mul3A_125 = arith.constant 16 : i32
      %mul3A_126 = arith.muli %scan3A_123, %mul3A_125 : i32
      %get3A_127 = arith.index_cast %mul3A_126 : i32 to index
      %get3A_128 = tpu.vector_load %arg9[%get3A_127] {strides = array<i32>} : memref<16384xf32, #tpu.memory_space<vmem>>, vector<16xf32>,
      %mul3A_129 = arith.constant 16 : i32
      %mul3A_130 = arith.muli %scan3A_123, %mul3A_129 : i32
      %get3A_131 = arith.index_cast %mul3A_130 : i32 to index
      %get3A_132 = tpu.vector_load %arg7[%get3A_131] {strides = array<i32>} : memref<16384xf32, #tpu.memory_space<vmem>>, vector<16xf32>,
      %sub3A_133 = arith.subf %get3A_128, %broadcast_in_dim3A : vector<16xf32>
      %mul3A_134 = arith.mulf %sub3A_133, %div3A_8 : vector<16xf32>
      %convert_element_type3A = arith.fptosi %mul3A_134 : vector<16xf32> to vector<16xi32>
      %jit3A = arith.constant 0 : i32
      %jit3A_135 = arith.constant 9 : i32
      %max3A = vector.broadcast %jit3A : i32 to vector<16xi32>
      %max3A_136 = arith.maxsi %max3A, %convert_element_type3A : vector<16xi32>
      %min3A = vector.broadcast %jit3A_135 : i32 to vector<16xi32>
      %min3A_137 = arith.minsi %min3A, %max3A_136 : vector<16xi32>
      %gather3A = tpu.vector_load_idx %arg11[%min3A_137] : memref<16xf32, #tpu.memory_space<vmem>>[vector<16xi32>], vector<16xf32>,
      %sub3A_138 = arith.subf %get3A_132, %get3A_128 : vector<16xf32>
      %mul3A_139 = arith.mulf %sub3A_138, %sub3A_138 : vector<16xf32>
      %mul3A_140 = arith.mulf %gather3A, %mul3A_139 : vector<16xf32>
      %add3A_141 = arith.addf %scan3A_124, %mul3A_140 : vector<16xf32>
      %scan3A_142 = arith.constant 1 : i32
      %scan3A_143 = arith.addi %scan3A_123, %scan3A_142 : i32
      %mul3A_144 = arith.constant 16 : i32
      %mul3A_145 = arith.muli %scan3A_143, %mul3A_144 : i32
      %get3A_146 = arith.index_cast %mul3A_145 : i32 to index
      %get3A_147 = tpu.vector_load %arg9[%get3A_146] {strides = array<i32>} : memref<16384xf32, #tpu.memory_space<vmem>>, vector<16xf32>,
      %mul3A_148 = arith.constant 16 : i32
      %mul3A_149 = arith.muli %scan3A_143, %mul3A_148 : i32
      %get3A_150 = arith.index_cast %mul3A_149 : i32 to index
      %get3A_151 = tpu.vector_load %arg7[%get3A_150] {strides = array<i32>} : memref<16384xf32, #tpu.memory_space<vmem>>, vector<16xf32>,
      %sub3A_152 = arith.subf %get3A_147, %broadcast_in_dim3A : vector<16xf32>
      %mul3A_153 = arith.mulf %sub3A_152, %div3A_8 : vector<16xf32>
      %convert_element_type3A_154 = arith.fptosi %mul3A_153 : vector<16xf32> to vector<16xi32>
      %jit3A_155 = arith.constant 0 : i32
      %jit3A_156 = arith.constant 9 : i32
      %max3A_157 = vector.broadcast %jit3A_155 : i32 to vector<16xi32>
      %max3A_158 = arith.maxsi %max3A_157, %convert_element_type3A_154 : vector<16xi32>
      %min3A_159 = vector.broadcast %jit3A_156 : i32 to vector<16xi32>
      %min3A_160 = arith.minsi %min3A_159, %max3A_158 : vector<16xi32>
      %gather3A_161 = tpu.vector_load_idx %arg11[%min3A_160] : memref<16xf32, #tpu.memory_space<vmem>>[vector<16xi32>], vector<16xf32>,
      %sub3A_162 = arith.subf %get3A_151, %get3A_147 : vector<16xf32>
      %mul3A_163 = arith.mulf %sub3A_162, %sub3A_162 : vector<16xf32>
      %mul3A_164 = arith.mulf %gather3A_161, %mul3A_163 : vector<16xf32>
      %add3A_165 = arith.addf %add3A_141, %mul3A_164 : vector<16xf32>
      %scan3A_166 = arith.constant 2 : i32
      %scan3A_167 = arith.addi %scan3A_123, %scan3A_166 : i32
      %mul3A_168 = arith.constant 16 : i32
      %mul3A_169 = arith.muli %scan3A_167, %mul3A_168 : i32
      %get3A_170 = arith.index_cast %mul3A_169 : i32 to index
      %get3A_171 = tpu.vector_load %arg9[%get3A_170] {strides = array<i32>} : memref<16384xf32, #tpu.memory_space<vmem>>, vector<16xf32>,
      %mul3A_172 = arith.constant 16 : i32
      %mul3A_173 = arith.muli %scan3A_167, %mul3A_172 : i32
      %get3A_174 = arith.index_cast %mul3A_173 : i32 to index
      %get3A_175 = tpu.vector_load %arg7[%get3A_174] {strides = array<i32>} : memref<16384xf32, #tpu.memory_space<vmem>>, vector<16xf32>,
      %sub3A_176 = arith.subf %get3A_171, %broadcast_in_dim3A : vector<16xf32>
      %mul3A_177 = arith.mulf %sub3A_176, %div3A_8 : vector<16xf32>
      %convert_element_type3A_178 = arith.fptosi %mul3A_177 : vector<16xf32> to vector<16xi32>
      %jit3A_179 = arith.constant 0 : i32
      %jit3A_180 = arith.constant 9 : i32
      %max3A_181 = vector.broadcast %jit3A_179 : i32 to vector<16xi32>
      %max3A_182 = arith.maxsi %max3A_181, %convert_element_type3A_178 : vector<16xi32>
      %min3A_183 = vector.broadcast %jit3A_180 : i32 to vector<16xi32>
      %min3A_184 = arith.minsi %min3A_183, %max3A_182 : vector<16xi32>
      %gather3A_185 = tpu.vector_load_idx %arg11[%min3A_184] : memref<16xf32, #tpu.memory_space<vmem>>[vector<16xi32>], vector<16xf32>,
      %sub3A_186 = arith.subf %get3A_175, %get3A_171 : vector<16xf32>
      %mul3A_187 = arith.mulf %sub3A_186, %sub3A_186 : vector<16xf32>
      %mul3A_188 = arith.mulf %gather3A_185, %mul3A_187 : vector<16xf32>
      %add3A_189 = arith.addf %add3A_165, %mul3A_188 : vector<16xf32>
      %scan3A_190 = arith.constant 3 : i32
      %scan3A_191 = arith.addi %scan3A_123, %scan3A_190 : i32
      %mul3A_192 = arith.constant 16 : i32
      %mul3A_193 = arith.muli %scan3A_191, %mul3A_192 : i32
      %get3A_194 = arith.index_cast %mul3A_193 : i32 to index
      %get3A_195 = tpu.vector_load %arg9[%get3A_194] {strides = array<i32>} : memref<16384xf32, #tpu.memory_space<vmem>>, vector<16xf32>,
      %mul3A_196 = arith.constant 16 : i32
      %mul3A_197 = arith.muli %scan3A_191, %mul3A_196 : i32
      %get3A_198 = arith.index_cast %mul3A_197 : i32 to index
      %get3A_199 = tpu.vector_load %arg7[%get3A_198] {strides = array<i32>} : memref<16384xf32, #tpu.memory_space<vmem>>, vector<16xf32>,
      %sub3A_200 = arith.subf %get3A_195, %broadcast_in_dim3A : vector<16xf32>
      %mul3A_201 = arith.mulf %sub3A_200, %div3A_8 : vector<16xf32>
      %convert_element_type3A_202 = arith.fptosi %mul3A_201 : vector<16xf32> to vector<16xi32>
      %jit3A_203 = arith.constant 0 : i32
      %jit3A_204 = arith.constant 9 : i32
      %max3A_205 = vector.broadcast %jit3A_203 : i32 to vector<16xi32>
      %max3A_206 = arith.maxsi %max3A_205, %convert_element_type3A_202 : vector<16xi32>
      %min3A_207 = vector.broadcast %jit3A_204 : i32 to vector<16xi32>
      %min3A_208 = arith.minsi %min3A_207, %max3A_206 : vector<16xi32>
      %gather3A_209 = tpu.vector_load_idx %arg11[%min3A_208] : memref<16xf32, #tpu.memory_space<vmem>>[vector<16xi32>], vector<16xf32>,
      %sub3A_210 = arith.subf %get3A_199, %get3A_195 : vector<16xf32>
      %mul3A_211 = arith.mulf %sub3A_210, %sub3A_210 : vector<16xf32>
      %mul3A_212 = arith.mulf %gather3A_209, %mul3A_211 : vector<16xf32>
      %add3A_213 = arith.addf %add3A_189, %mul3A_212 : vector<16xf32>
      scf.yield %add3A_213 : vector<16xf32>
    }
    %scan3A_119 = arith.constant 1024 : i32
    %swap3A = arith.constant 0 : index
    %swap3A_120 = tpu.vector_load %arg13[%swap3A] {strides = array<i32>} : memref<16xf32, #tpu.memory_space<vmem>>, vector<16xf32>,
    tpu.vector_store %arg13[%swap3A], %scan3A_118 {strides = array<i32>} : memref<16xf32, #tpu.memory_space<vmem>>, vector<16xf32>,
    %mul3A_121 = arith.constant 16 : i32
    %mul3A_122 = arith.muli %add3A, %mul3A_121 : i32
    "tpu.region"() ({
      %run_scoped3A = tpu.sem_alloc : memref<!tpu.dma_semaphore, #tpu.memory_space<semaphore_mem>>
      %dma_start3A_123 = tpu.memref_slice %arg6[%mul3A_122] : memref<512xf32, #tpu.memory_space<hbm>> -> memref<16xf32, #tpu.memory_space<hbm>>
      %dma_start3A_124 = tpu.memref_slice %arg6[%mul3A_122] : memref<512xf32, #tpu.memory_space<hbm>> -> memref<16xf32, #tpu.memory_space<hbm>>
      tpu.enqueue_dma source(%arg13 : memref<16xf32, #tpu.memory_space<vmem>>) target(%dma_start3A_124 : memref<16xf32, #tpu.memory_space<hbm>>) target_semaphore(%run_scoped3A : memref<!tpu.dma_semaphore, #tpu.memory_space<semaphore_mem>>)
      %dma_wait3A_125 = tpu.memref_slice %arg6[%mul3A_122] : memref<512xf32, #tpu.memory_space<hbm>> -> memref<16xf32, #tpu.memory_space<hbm>>
      %dma_wait3A_126 = tpu.memref_slice %arg6[%mul3A_122] : memref<512xf32, #tpu.memory_space<hbm>> -> memref<16xf32, #tpu.memory_space<hbm>>
      tpu.wait_dma2 semaphore(%run_scoped3A : memref<!tpu.dma_semaphore, #tpu.memory_space<semaphore_mem>>) src(%arg13 : memref<16xf32, #tpu.memory_space<vmem>>) dst(%dma_wait3A_126 : memref<16xf32, #tpu.memory_space<hbm>>)
      tpu.yield
    }) : () -> ()
    return
  }
}

module attributes {stable_mosaic.version = 14 : i64} {
  func.func @tck(%arg0: i32, %arg1: memref<11xf32, #tpu.memory_space<smem>>, %arg2: memref<10xf32, #tpu.memory_space<smem>>, %arg3: memref<4096x128xf32, #tpu.memory_space<vmem>>, %arg4: memref<4096x128xf32, #tpu.memory_space<vmem>>, %arg5: memref<8x128xf32, #tpu.memory_space<vmem>>) attributes {dimension_semantics = [#tpu.dimension_semantics<arbitrary>], iteration_bounds = array<i64: 9>, scalar_prefetch = 0 : i64, scratch_operands = 0 : i64, tpu.core_type = #tpu.core_type<tc>, window_params = [{transform_indices = @transform_0, window_bounds = array<i64: 11>}, {transform_indices = @transform_1, window_bounds = array<i64: 10>}, {transform_indices = @transform_2, window_bounds = array<i64: 4096, 128>}, {transform_indices = @transform_3, window_bounds = array<i64: 4096, 128>}, {pipeline_mode = #tpu.pipeline_mode<synchronous>, transform_indices = @transform_4, window_bounds = array<i64: 8, 128>}]} {
    %eq3A = arith.constant 0 : i32
    %eq3A_0 = arith.cmpi eq, %arg0, %eq3A : i32
    %convert_element_type3A = arith.extui %eq3A_0 : i1 to i32
    %cond3A = arith.constant 0 : i32
    %cond3A_1 = arith.cmpi ne, %convert_element_type3A, %cond3A : i32
    scf.if %cond3A_1 {
      %broadcast_in_dim3A_86 = arith.constant 0.000000e+00 : f32
      %broadcast_in_dim3A_87 = vector.broadcast %broadcast_in_dim3A_86 : f32 to vector<8x128xf32>
      %swap3A_88 = arith.constant 0 : index
      %swap3A_89 = arith.constant 0 : index
      %swap3A_90 = vector.load %arg5[%swap3A_88, %swap3A_89] : memref<8x128xf32, #tpu.memory_space<vmem>>, vector<8x128xf32>
      tpu.vector_store %arg5[%swap3A_88, %swap3A_89], %broadcast_in_dim3A_87 {strides = array<i32>} : memref<8x128xf32, #tpu.memory_space<vmem>>, vector<8x128xf32>,
    } else {
    }
    %get3A = arith.constant 0 : index
    %get3A_2 = arith.constant 0 : index
    %get3A_3 = vector.load %arg3[%get3A, %get3A_2] : memref<4096x128xf32, #tpu.memory_space<vmem>>, vector<4096x128xf32>
    %get3A_4 = arith.constant 0 : index
    %get3A_5 = arith.constant 0 : index
    %get3A_6 = vector.load %arg4[%get3A_4, %get3A_5] : memref<4096x128xf32, #tpu.memory_space<vmem>>, vector<4096x128xf32>
    %get3A_7 = arith.constant 0 : index
    %get3A_8 = memref.load %arg2[%get3A_7] : memref<10xf32, #tpu.memory_space<smem>>
    %broadcast_in_dim3A = vector.broadcast %get3A_8 : f32 to vector<4096x128xf32>
    %get3A_9 = arith.constant 1 : index
    %get3A_10 = memref.load %arg1[%get3A_9] : memref<11xf32, #tpu.memory_space<smem>>
    %ge3A = vector.broadcast %get3A_10 : f32 to vector<4096x128xf32>
    %ge3A_11 = arith.cmpf oge, %get3A_6, %ge3A : vector<4096x128xf32>
    %get3A_12 = arith.constant 1 : index
    %get3A_13 = memref.load %arg2[%get3A_12] : memref<10xf32, #tpu.memory_space<smem>>
    %broadcast_in_dim3A_14 = vector.broadcast %get3A_13 : f32 to vector<4096x128xf32>
    %select_n3A = arith.select %ge3A_11, %broadcast_in_dim3A_14, %broadcast_in_dim3A : vector<4096x128xi1>, vector<4096x128xf32>
    %get3A_15 = arith.constant 2 : index
    %get3A_16 = memref.load %arg1[%get3A_15] : memref<11xf32, #tpu.memory_space<smem>>
    %ge3A_17 = vector.broadcast %get3A_16 : f32 to vector<4096x128xf32>
    %ge3A_18 = arith.cmpf oge, %get3A_6, %ge3A_17 : vector<4096x128xf32>
    %get3A_19 = arith.constant 2 : index
    %get3A_20 = memref.load %arg2[%get3A_19] : memref<10xf32, #tpu.memory_space<smem>>
    %broadcast_in_dim3A_21 = vector.broadcast %get3A_20 : f32 to vector<4096x128xf32>
    %select_n3A_22 = arith.select %ge3A_18, %broadcast_in_dim3A_21, %select_n3A : vector<4096x128xi1>, vector<4096x128xf32>
    %get3A_23 = arith.constant 3 : index
    %get3A_24 = memref.load %arg1[%get3A_23] : memref<11xf32, #tpu.memory_space<smem>>
    %ge3A_25 = vector.broadcast %get3A_24 : f32 to vector<4096x128xf32>
    %ge3A_26 = arith.cmpf oge, %get3A_6, %ge3A_25 : vector<4096x128xf32>
    %get3A_27 = arith.constant 3 : index
    %get3A_28 = memref.load %arg2[%get3A_27] : memref<10xf32, #tpu.memory_space<smem>>
    %broadcast_in_dim3A_29 = vector.broadcast %get3A_28 : f32 to vector<4096x128xf32>
    %select_n3A_30 = arith.select %ge3A_26, %broadcast_in_dim3A_29, %select_n3A_22 : vector<4096x128xi1>, vector<4096x128xf32>
    %get3A_31 = arith.constant 4 : index
    %get3A_32 = memref.load %arg1[%get3A_31] : memref<11xf32, #tpu.memory_space<smem>>
    %ge3A_33 = vector.broadcast %get3A_32 : f32 to vector<4096x128xf32>
    %ge3A_34 = arith.cmpf oge, %get3A_6, %ge3A_33 : vector<4096x128xf32>
    %get3A_35 = arith.constant 4 : index
    %get3A_36 = memref.load %arg2[%get3A_35] : memref<10xf32, #tpu.memory_space<smem>>
    %broadcast_in_dim3A_37 = vector.broadcast %get3A_36 : f32 to vector<4096x128xf32>
    %select_n3A_38 = arith.select %ge3A_34, %broadcast_in_dim3A_37, %select_n3A_30 : vector<4096x128xi1>, vector<4096x128xf32>
    %get3A_39 = arith.constant 5 : index
    %get3A_40 = memref.load %arg1[%get3A_39] : memref<11xf32, #tpu.memory_space<smem>>
    %ge3A_41 = vector.broadcast %get3A_40 : f32 to vector<4096x128xf32>
    %ge3A_42 = arith.cmpf oge, %get3A_6, %ge3A_41 : vector<4096x128xf32>
    %get3A_43 = arith.constant 5 : index
    %get3A_44 = memref.load %arg2[%get3A_43] : memref<10xf32, #tpu.memory_space<smem>>
    %broadcast_in_dim3A_45 = vector.broadcast %get3A_44 : f32 to vector<4096x128xf32>
    %select_n3A_46 = arith.select %ge3A_42, %broadcast_in_dim3A_45, %select_n3A_38 : vector<4096x128xi1>, vector<4096x128xf32>
    %get3A_47 = arith.constant 6 : index
    %get3A_48 = memref.load %arg1[%get3A_47] : memref<11xf32, #tpu.memory_space<smem>>
    %ge3A_49 = vector.broadcast %get3A_48 : f32 to vector<4096x128xf32>
    %ge3A_50 = arith.cmpf oge, %get3A_6, %ge3A_49 : vector<4096x128xf32>
    %get3A_51 = arith.constant 6 : index
    %get3A_52 = memref.load %arg2[%get3A_51] : memref<10xf32, #tpu.memory_space<smem>>
    %broadcast_in_dim3A_53 = vector.broadcast %get3A_52 : f32 to vector<4096x128xf32>
    %select_n3A_54 = arith.select %ge3A_50, %broadcast_in_dim3A_53, %select_n3A_46 : vector<4096x128xi1>, vector<4096x128xf32>
    %get3A_55 = arith.constant 7 : index
    %get3A_56 = memref.load %arg1[%get3A_55] : memref<11xf32, #tpu.memory_space<smem>>
    %ge3A_57 = vector.broadcast %get3A_56 : f32 to vector<4096x128xf32>
    %ge3A_58 = arith.cmpf oge, %get3A_6, %ge3A_57 : vector<4096x128xf32>
    %get3A_59 = arith.constant 7 : index
    %get3A_60 = memref.load %arg2[%get3A_59] : memref<10xf32, #tpu.memory_space<smem>>
    %broadcast_in_dim3A_61 = vector.broadcast %get3A_60 : f32 to vector<4096x128xf32>
    %select_n3A_62 = arith.select %ge3A_58, %broadcast_in_dim3A_61, %select_n3A_54 : vector<4096x128xi1>, vector<4096x128xf32>
    %get3A_63 = arith.constant 8 : index
    %get3A_64 = memref.load %arg1[%get3A_63] : memref<11xf32, #tpu.memory_space<smem>>
    %ge3A_65 = vector.broadcast %get3A_64 : f32 to vector<4096x128xf32>
    %ge3A_66 = arith.cmpf oge, %get3A_6, %ge3A_65 : vector<4096x128xf32>
    %get3A_67 = arith.constant 8 : index
    %get3A_68 = memref.load %arg2[%get3A_67] : memref<10xf32, #tpu.memory_space<smem>>
    %broadcast_in_dim3A_69 = vector.broadcast %get3A_68 : f32 to vector<4096x128xf32>
    %select_n3A_70 = arith.select %ge3A_66, %broadcast_in_dim3A_69, %select_n3A_62 : vector<4096x128xi1>, vector<4096x128xf32>
    %get3A_71 = arith.constant 9 : index
    %get3A_72 = memref.load %arg1[%get3A_71] : memref<11xf32, #tpu.memory_space<smem>>
    %ge3A_73 = vector.broadcast %get3A_72 : f32 to vector<4096x128xf32>
    %ge3A_74 = arith.cmpf oge, %get3A_6, %ge3A_73 : vector<4096x128xf32>
    %get3A_75 = arith.constant 9 : index
    %get3A_76 = memref.load %arg2[%get3A_75] : memref<10xf32, #tpu.memory_space<smem>>
    %broadcast_in_dim3A_77 = vector.broadcast %get3A_76 : f32 to vector<4096x128xf32>
    %select_n3A_78 = arith.select %ge3A_74, %broadcast_in_dim3A_77, %select_n3A_70 : vector<4096x128xi1>, vector<4096x128xf32>
    %sub3A = arith.subf %get3A_3, %get3A_6 : vector<4096x128xf32>
    %mul3A = arith.mulf %sub3A, %sub3A : vector<4096x128xf32>
    %mul3A_79 = arith.mulf %select_n3A_78, %mul3A : vector<4096x128xf32>
    %get3A_80 = arith.constant 0 : index
    %get3A_81 = arith.constant 0 : index
    %get3A_82 = vector.load %arg5[%get3A_80, %get3A_81] : memref<8x128xf32, #tpu.memory_space<vmem>>, vector<8x128xf32>
    %reshape3A = vector.shape_cast %mul3A_79 : vector<4096x128xf32> to vector<512x8x128xf32>
    %reduce_sum3A = arith.constant dense<0.000000e+00> : vector<8x128xf32>
    %reduce_sum3A_83 = vector.multi_reduction <add>, %reshape3A, %reduce_sum3A [0] : vector<512x8x128xf32> to vector<8x128xf32>
    %add3A = arith.addf %get3A_82, %reduce_sum3A_83 : vector<8x128xf32>
    %swap3A = arith.constant 0 : index
    %swap3A_84 = arith.constant 0 : index
    %swap3A_85 = vector.load %arg5[%swap3A, %swap3A_84] : memref<8x128xf32, #tpu.memory_space<vmem>>, vector<8x128xf32>
    tpu.vector_store %arg5[%swap3A, %swap3A_84], %add3A {strides = array<i32>} : memref<8x128xf32, #tpu.memory_space<vmem>>, vector<8x128xf32>,
    return
  }
  func.func @transform_0(%arg0: i32) -> i32 {
    %c0_i32 = arith.constant 0 : i32
    %c0_i32_0 = arith.constant 0 : i32
    return %c0_i32 : i32
  }
  func.func @transform_1(%arg0: i32) -> i32 {
    %c0_i32 = arith.constant 0 : i32
    %c0_i32_0 = arith.constant 0 : i32
    return %c0_i32 : i32
  }
  func.func @transform_2(%arg0: i32) -> (i32, i32) {
    %add3A = arith.constant 7 : i32
    %add3A_0 = arith.addi %arg0, %add3A : i32
    %c0_i32 = arith.constant 0 : i32
    %c0_i32_1 = arith.constant 0 : i32
    return %add3A_0, %c0_i32 : i32, i32
  }
  func.func @transform_3(%arg0: i32) -> (i32, i32) {
    %add3A = arith.constant 7 : i32
    %add3A_0 = arith.addi %arg0, %add3A : i32
    %c0_i32 = arith.constant 0 : i32
    %c0_i32_1 = arith.constant 0 : i32
    return %add3A_0, %c0_i32 : i32, i32
  }
  func.func @transform_4(%arg0: i32) -> (i32, i32) {
    %c0_i32 = arith.constant 0 : i32
    %c0_i32_0 = arith.constant 0 : i32
    %c0_i32_1 = arith.constant 0 : i32
    return %c0_i32, %c0_i32_0 : i32, i32
  }
}

</mosaic_0001>

<sc_bundles>
// kernel: kernel.4.cloned.1.call-start
scs
__scs_entry_jumppad:
0x0: {  	(pc) =	sbr.rel $0x88, $3  }
0x1: {  	(tag) =	ssettag $0x0;
	lr =	simm.s32 $0x1  }
0x2: {  	[smem:$0x3F9D] =	sst lr;
	_ =	strace $0xD0000000  }
0x3: {  	_ = 	snop  }
0x4: {  	_ = 	snop  }
0x5: {  	_ = 	snop  }
0x6: {  	_ = 	snop  }
0x7: {  	_ = 	snop  }
__scs_overlays_trampoline_lowered:
0x8: {  	[smem:$0x3FAC] =	sst s0  }
0x9: {  	[smem:$0x3FAD] =	sst s1  }
0xa: {  	[smem:$0x3FAE] =	sst s2  }
0xb: {  	[smem:$0x3FAF] =	sst s3  }
0xc: {  	[smem:$0x3FB0] =	sst s4  }
0xd: {  	[smem:$0x3FB1] =	sst s5  }
0xe: {  	[smem:$0x3FB2] =	sst s6  }
0xf: {  	[smem:$0x3FB3] =	sst s7  }
0x10: {  	[smem:$0x3FB4] =	sst s8  }
0x11: {  	[smem:$0x3FB5] =	sst s9;
	s0 =	simm.s32 @!p0 $0x0  }
0x12: {  	s1 =	sld [smem:$0x3F9B];
	s0 =	simm.s32 @p0 $0x1  }
0x13: {  	[smem:$0x3FB6] =	sst s0;
	s0 =	simm.s32 @!p1 $0x0  }
0x14: {  	s2 =	sld [smem:$0x3F9A];
	s0 =	simm.s32 @p1 $0x1  }
0x15: {  	[smem:$0x3FB7] =	sst s0;
	s0 =	simm.s32 @!p2 $0x0  }
0x16: {  	s3 =	sld [smem:$0x3FDB];
	s0 =	simm.s32 @p2 $0x1  }
0x17: {  	s4 =	simm.s32 $0x1BF5;
	[smem:$0x3FB9] =	sst s0  }
0x18: {  	s0 =	sld [smem:$0x3F9C];
	_ =	swait.ge [sflag:s4], $0x0  }
0x19: {  	s7 =	sld [smem:$0x3F9D]  }
0x1a: {  	s8 =	sadd.s32 $0xFFFFE003, lr  }
0x1b: {  	s9 =	sadd.s32 $0xFFFFFEF7, lr;
	s5 =	simm.s32 $0xFFFFFFFF;
	p2 =	slt.u32 s8, $0xFFFFF086  }
0x1c: {  	p1 =	slt.u32 s9, $0xF7A;
	s5 =	simm.s32 @!p2 $0x0  }
0x1d: {  	s5 =	simm.s32 @p1 $0x1;
	p0 =	seq.s32 s7, s2  }
0x1e: {  	s7 =	smul.u32 @!p0 $0xF7A, s2;
	p2 =	seq.s32 @!p0 s5, $0x0  }
0x1f: {  	s9 =	smul.u32 $0xF7A, s1;
	s8 =	simm.s32 @!p0 $0x1BF5;
	p2 =	por !p2, p0  }
0x20: {  	[sflag:s8] =	ssyncset.s32 @!p0 $0xFFFFF086;
	s6 =	sadd.s32 @!p0 s3, s7;
	s7 =	simm.s32 @!p0 $0x108  }
0x21: {  	s3 =	sadd.s32 s3, s9;
	s6 =	sadd.s32 @!p0 $0x88, s6;
	s7 =	simm.s32 @p2 $0x1082  }
0x22: {  	[simem:s7], [sflag:s8] =	dma.local @!p0 [hbm:s6], $0xF7A  }
0x23: {  	s9 =	sor.u32 $0xD0000000, s2;
	s6 =	simm.s32 $0x108;
	_ =	swait.ge @!p0 [sflag:s8], $0x0  }
0x24: {  	s3 =	sadd.s32 $0x88, s3;
	s6 =	simm.s32 @!p1 $0x1082;
	[sflag:s4] =	ssyncset.s32 $0xFFFFF086  }
0x25: {  	[simem:s6], [sflag:s4] =	dma.local [hbm:s3], $0xF7A  }
0x26: {  	[smem:$0x3F9D] =	sst s1;
	(tag) =	ssettag s2;
	_ =	strace s9  }
0x27: {  	s1 =	sld [smem:$0x3FAD]  }
0x28: {  	s2 =	sld [smem:$0x3FAE]  }
0x29: {  	s4 =	sld [smem:$0x3FB0]  }
0x2a: {  	p0 =	seq.s32 s5, $0x0;
	s5 =	sld [smem:$0x3FB1]  }
0x2b: {  	s6 =	sld [smem:$0x3FB2]  }
0x2c: {  	s7 =	sld [smem:$0x3FB3]  }
0x2d: {  	s3 =	simm.s32 $0x108;
	s8 =	sld [smem:$0x3FB4]  }
0x2e: {  	s3 =	simm.s32 @!p0 $0x1082;
	s9 =	sld [smem:$0x3FB5]  }
0x2f: {  	lr =	sadd.s32 s0, s3;
	s0 =	sld [smem:$0x3FAC]  }
0x30: {  	s3 =	sld [smem:$0x3FAF]  }
0x31: {  	[smem:$0x3FB8] =	sst s10  }
0x32: {  	s10 =	sld [smem:$0x3FB6];
	_ =	sdelay $0x3  }
0x33: {  	p0 =	seq.s32 s10, $0x1;
	s10 =	sld [smem:$0x3FB8];
	_ =	sdelay $0x3  }
0x34: {  	[smem:$0x3FB8] =	sst s10  }
0x35: {  	s10 =	sld [smem:$0x3FB7];
	_ =	sdelay $0x3  }
0x36: {  	p1 =	seq.s32 s10, $0x1;
	s10 =	sld [smem:$0x3FB8];
	_ =	sdelay $0x3  }
0x37: {  	[smem:$0x3FB8] =	sst s10  }
0x38: {  	s10 =	sld [smem:$0x3FB9]  }
0x39: {  	_ = 	snop;
	(pc) =	sbr.ind lr, $3  }
0x3a: {  	_ = 	snop  }
0x3b: {  	_ = 	snop  }
0x3c: {  	p2 =	seq.s32 s10, $0x1;
	s10 =	sld [smem:$0x3FB8]  }
0x3d: {  	_ =	shalt  }
0x3e: {  	_ =	shalt  }
0x3f: {  	_ =	shalt  }
0x40: {  	_ =	shalt  }
0x41: {  	_ =	shalt  }
0x42: {  	_ =	shalt  }
0x43: {  	_ =	shalt  }
0x44: {  	_ =	shalt  }
0x45: {  	_ =	shalt  }
0x46: {  	_ =	shalt  }
0x47: {  	_ =	shalt  }
0x48: {  	_ =	shalt  }
0x49: {  	_ =	shalt  }
0x4a: {  	_ =	shalt  }
0x4b: {  	_ =	shalt  }
0x4c: {  	_ =	shalt  }
0x4d: {  	_ =	shalt  }
0x4e: {  	_ =	shalt  }
0x4f: {  	_ =	shalt  }
0x50: {  	_ =	shalt  }
0x51: {  	_ =	shalt  }
0x52: {  	_ =	shalt  }
0x53: {  	_ =	shalt  }
0x54: {  	_ =	shalt  }
0x55: {  	_ =	shalt  }
0x56: {  	_ =	shalt  }
0x57: {  	_ =	shalt  }
0x58: {  	_ =	shalt  }
0x59: {  	_ =	shalt  }
0x5a: {  	_ =	shalt  }
0x5b: {  	_ =	shalt  }
0x5c: {  	_ =	shalt  }
0x5d: {  	_ =	shalt  }
0x5e: {  	_ =	shalt  }
0x5f: {  	_ =	shalt  }
0x60: {  	_ =	shalt  }
0x61: {  	_ =	shalt  }
0x62: {  	_ =	shalt  }
0x63: {  	_ =	shalt  }
0x64: {  	_ =	shalt  }
0x65: {  	_ =	shalt  }
0x66: {  	_ =	shalt  }
0x67: {  	_ =	shalt  }
0x68: {  	_ =	shalt  }
0x69: {  	_ =	shalt  }
0x6a: {  	_ =	shalt  }
0x6b: {  	_ =	shalt  }
0x6c: {  	_ =	shalt  }
0x6d: {  	_ =	shalt  }
0x6e: {  	_ =	shalt  }
0x6f: {  	_ =	shalt  }
0x70: {  	_ =	shalt  }
0x71: {  	_ =	shalt  }
0x72: {  	_ =	shalt  }
0x73: {  	_ =	shalt  }
0x74: {  	_ =	shalt  }
0x75: {  	_ =	shalt  }
0x76: {  	_ =	shalt  }
0x77: {  	_ =	shalt  }
0x78: {  	_ =	shalt  }
0x79: {  	_ =	shalt  }
0x7a: {  	_ =	shalt  }
0x7b: {  	_ =	shalt  }
0x7c: {  	_ =	shalt  }
0x7d: {  	_ =	shalt  }
0x7e: {  	_ =	shalt  }
0x7f: {  	_ =	shalt  }
0x80: {  	_ =	shalt  }
0x81: {  	_ =	shalt  }
0x82: {  	_ =	shalt  }
0x83: {  	_ =	shalt  }
0x84: {  	_ =	shalt  }
0x85: {  	_ =	shalt  }
0x86: {  	_ =	shalt  }
0x87: {  	_ =	shalt  }
.Lfunc_end0:
.L_simem_size_0:
called_computation_lowered:
.L_overlay_start_0:
0x88: {  	s2 =	sld [smem:$0x3FD9]  }
0x89: {  	s3 =	sld [smem:$0x3FFE];
	_ =	sdelay $0x1  }
0x8a: {  	s1 =	srdreg.scid  }
0x8b: {  	s0 =	sand.u32 $0x1, s1  }
0x8c: {  	s17 =	sshll.u32 s0, $0xA;
	s2 =	sadd.s32 s3, s2  }
0x8d: {  	s2 =	sadd.s32 s2, s17  }
0x8e: {  	[smem:$0x3FC4] =	sst s2  }
0x8f: {  	_ = 	snop  }
0x90: {  	s2 =	sld [smem:$0x3FC9]  }
0x91: {  	s18 =	sld [smem:$0x3FC8]  }
0x92: {  	s4 =	sld [smem:$0x3FD0];
	(tm) =	ssettm $0x1  }
0x93: {  	s5 =	sld [smem:$0x3FFB];
	_ =	sdelay $0x3  }
0x94: {  	_ =	strace s5  }
0x95: {  	s5 =	sld [smem:$0x3FFC];
	_ =	sdelay $0x3  }
0x96: {  	_ =	strace s5  }
0x97: {  	s5 =	sld [smem:$0x3FFD];
	_ =	sdelay $0x3  }
0x98: {  	_ =	strace s5  }
0x99: {  	_ =	strace $0x8FFFFFFF  }
0x9a: {  	s19 =	sld [smem:$0x3FDB];
	_ =	sdelay $0x1  }
0x9b: {  	s6 =	simm.s32 $_scs_section_size  }
0x9c: {  	s7 =	simm.s32 $_size__tile_overlayer_lowered;
	s8 =	simm.s32 $_tile_overlayer_lowered  }
0x9d: {  	s22 =	simm.s32 $0x1BFF;
	s21 =	sshll.u32 s8, $0x1;
	s5 =	sadd.s32 s6, s19  }
0x9e: {  	s9 =	simm.s32 $0x0;
	s20 =	sshll.u32 s7, $0x1;
	s7 =	sadd.s32 s21, s5  }
0x9f: {  	[timem:s9], [sflag:s22] =	dma.local [hbm:s7], s20  }
0xa0: {  	_ =	swait.ge [sflag:s22], s20  }
0xa1: {  	s6 =	ssub.s32 $0x0, s20;
	[sflag:s22] =	ssyncset.done $0x0  }
0xa2: {  	[sflag:s22] =	ssyncadd.s32 s6;
	_ =	sdelay $0x1  }
0xa3: {  	s23 =	simm.s32 $0x1B8B  }
0xa4: {  	_ =	swait.ge [sflag:s23], $0x1  }
0xa5: {  	[sflag:s23] =	ssyncset.done $0x0  }
0xa6: {  	s25 =	simm.s32 $0x1B8E;
	s24 =	sld [smem:$0x3FFE];
	[sflag:s23] =	ssyncadd.s32 $0xFFFFFFFF  }
0xa7: {  	s26 =	simm.s32 $execute0_lowered;
	[smem:$0x3FD2] =	sst s25  }
0xa8: {  	s7 =	sshll.u32 s26, $0x1;
	_ =	strace $0x80000046;
	[dreg:$0x1] =	wrdreg $0xFFFFFFFF  }
0xa9: {  	s28 =	simm.s32 $_size_execute0_lowered;
	s5 =	sadd.s32 s5, s7;
	[dreg:$0x0] =	wrdreg $0x0  }
0xaa: {  	s7 =	sshll.u32 s28, $0x1;
	[dreg:$0x2] =	wrdreg s5  }
0xab: {  	[dreg:$0x3] =	wrdreg s7  }
0xac: {  	[dreg:$0x4] =	wrdreg $0xC0  }
0xad: {  	_ =	task [dreg:s9], $0x5FFFF  }
0xae: {  	[dreg:$0x1] =	wrdreg $0xFFFFFFFF  }
0xaf: {  	[dreg:$0x0] =	wrdreg $0x60  }
0xb0: {  	[dreg:$0x2] =	wrdreg s2  }
0xb1: {  	[dreg:$0x3] =	wrdreg s18  }
0xb2: {  	[dreg:$0x4] =	wrdreg s4  }
0xb3: {  	[dreg:$0x5] =	wrdreg s24  }
0xb4: {  	[dreg:$0x6] =	wrdreg $0x9  }
0xb5: {  	_ =	task.clear_ibuf [dreg:s9], $0x7FFFF;
	_ =	strace $0x90000046  }
0xb6: {  	s29 =	simm.s32 $0x9;
	_ =	strace $0x80000048  }
0xb7: {  	_ =	swait.ge [sflag:s29], $0x1  }
0xb8: {  	[sflag:s29] =	ssyncadd.s32 $0xFFFFFFFF  }
0xb9: {  	_ =	strace $0x90000048  }
0xba: {  	_ =	sfence  }
0xbb: {  	s30 =	sld [smem:$0x0];
	_ =	sdelay $0x2  }
0xbc: {  	s31 =	sshll.u32 s1, $0xD;
	s1 =	sshrl.u32 s1, $0x2  }
0xbd: {  	s3 =	sand.u32 $0x4000, s31;
	s1 =	sadd.s32 s1, s30  }
0xbe: {  	s0 =	sor.u32 s3, s0;
	s1 =	sshll.u32 s1, $0x11  }
0xbf: {  	s0 =	sor.u32 s1, s0  }
0xc0: {  	s0 =	sadd.s32 $0x8F2B, s0  }
0xc1: {  	[sflag:s0] =	ssyncadd.remote.s32 $0x1  }
0xc2: {  	_ =	sfence.sel $0xFFFF  }
0xc3: {  	[dreg:$0x0] =	wrdreg $0xFFFFFFFF;
	(pc) =	sbr.abs _section_cstart, $3  }
0xc4: {  	[dreg:$0x1] =	wrdreg $0xFFFFFFFF  }
0xc5: {  	_ =	task.clear_ibuf [dreg:s9], $0x2FFFF;
	_ =	strace $0x9FFFFFFF  }
0xc6: {  	(tm) =	ssettm $0x7FFFFFFF  }
0xc7: {  	_ =	shalt  }
tec
execute0_lowered:
.L_overlay_start_1:
0x0: {  	(tag) =	ssettag $0x1  }
0x1: {  	s0 =	rddreg [dreg:$0x0]  }
0x2: {  	s1 =	rddreg [dreg:$0x1];
	s2 =	srdreg.scid  }
0x3: {  	s4 =	stileid.u32;
	s3 =	rddreg [dreg:$0x3]  }
0x4: {  	s21 =	simm.s32 $0x10000;
	s22 =	simm.s32 $0x3;
	s23 =	simm.s32 $0x10080  }
0x5: {  	s24 =	simm.s32 $0x8000;
	s25 =	simm.s32 $0x4000;
	s28 =	simm.s32 $0x1  }
0x6: {  	s29 =	simm.s32 $0x2;
	s30 =	simm.s32 $0x10100;
	s31 =	simm.s32 $0x0  }
0x7: {  	s2 =	sand.u32 $0x1, s2;
	s5 =	sshll.u32 s4, $0x1;
	s4 =	simm.s32 $0x0  }
0x8: {  	s5 =	sor.u32 s2, s5;
	[smem:$0x7FF] =	sst s4;
	s2 =	ssub.s32 $0x2, s2  }
0x9: {  	s6 =	smul.u32 $0x1C000, s5;
	s5 =	sshll.u32 s5, $0x1;
	s26 =	sshrl.u32 s2, $0x1  }
0xa: {  	_ =	strace $0x80000047;
	s19 =	sadd.s32 s5, s3;
	s2 =	ssub.s32 s2, s26  }
0xb: {  	s26 =	simm.s32 $0xC000;
	s16 =	sshrl.u32 s6, $0x3;
	s19 =	sadd.s32 $0x200, s19  }
0xc: {  	s20 =	smax.u32 s2, $0x1;
	s5 =	sadd.s32 s0, s16;
	s8 =	sadd.s32 $0x800, s16  }
0xd: {  	s6 =	sadd.s32 s1, s16;
	s10 =	sadd.s32 $0x1000, s16;
	s12 =	sadd.s32 $0x1800, s16  }
0xe: {  	s14 =	sadd.s32 $0x2000, s16;
	s17 =	sadd.s32 $0x2800, s16;
	s18 =	sadd.s32 $0x3000, s16  }
0xf: {  	s7 =	sadd.s32 s0, s8;
	s8 =	sadd.s32 s1, s8;
	s9 =	sadd.s32 s0, s10  }
0x10: {  	s10 =	sadd.s32 s1, s10;
	s11 =	sadd.s32 s0, s12;
	s12 =	sadd.s32 s1, s12  }
0x11: {  	s13 =	sadd.s32 s0, s14;
	s14 =	sadd.s32 s1, s14;
	s15 =	sadd.s32 s0, s17  }
0x12: {  	s16 =	sadd.s32 s1, s17;
	s17 =	sadd.s32 s0, s18;
	s18 =	sadd.s32 s1, s18  }
.LBB2_1:
0x13: {  	s0 =	rddreg [dreg:$0x2]  }
0x14: {  	[tilespmem:s21], [sflag:$0x3] =	stream.linear.gather [hbm4b:s0+s4], $0x80, $0x38;
	[tilespmem:$0x10180] =	vst v63  }
0x15: {  	_ =	swait.ge [sflag:s22], $0x80  }
0x16: {  	[sflag:s22] =	ssyncset.done $0x0  }
0x17: {  	[sflag:s22] =	ssyncadd.s32 $0xFFFFFF80  }
0x18: {  	[tilespmem:s23], [sflag:$0x3] =	stream.linear.gather [hbm4b:s3+s4], $0x80, $0x38;
	[tilespmem:$0x10180] =	vst v63  }
0x19: {  	_ =	swait.ge [sflag:s22], $0x80  }
0x1a: {  	[sflag:s22] =	ssyncset.done $0x0  }
0x1b: {  	[sflag:s22] =	ssyncadd.s32 $0xFFFFFF80  }
0x1c: {  	v1 =	vld [tilespmem:$0x10080];
	_ =	sdelay $0x4  }
0x1d: {  	v0 =	vbroadcast v1, $0x0;
	v1 =	vbroadcast v1, $0xA;
	_ =	sdelay $0x1  }
0x1e: {  	v1 =	vsub.f32 v1, v0;
	_ =	sdelay $0x1  }
0x1f: {  	(erf) = vrcp.f32 v1;
	_ =	sdelay $0x2  }
0x20: {  	[tilespmem:s4], [sflag:$0x1] =	stream.linear.gather [hbm4b:s5+s4], $0x4000, $0x38;
	[tilespmem:$0x10180] =	vst v63  }
0x21: {  	_ = 	snop  }
0x22: {  	[tilespmem:s24], [sflag:$0x1] =	stream.linear.gather [hbm4b:s6+s4], $0x4000, $0x38;
	[tilespmem:$0x10180] =	vst v63  }
0x23: {  	_ = 	snop  }
0x24: {  	[tilespmem:s25], [sflag:$0x2] =	stream.linear.gather [hbm4b:s7+s4], $0x4000, $0x38;
	[tilespmem:$0x10180] =	vst v63  }
0x25: {  	_ = 	snop  }
0x26: {  	[tilespmem:s26], [sflag:$0x2] =	stream.linear.gather [hbm4b:s8+s4], $0x4000, $0x38;
	v1 =	vpop (erf);
	[tilespmem:$0x10180] =	vst v63  }
0x27: {  	_ =	swait.ge [sflag:s28], $0x4000  }
0x28: {  	[sflag:s28] =	ssyncset.done $0x0  }
0x29: {  	[sflag:s28] =	ssyncadd.s32 $0xFFFFC000  }
0x2a: {  	_ =	swait.ge [sflag:s28], $0x4000  }
0x2b: {  	[sflag:s28] =	ssyncset.done $0x0  }
0x2c: {  	s2 =	simm.s32 $0x8020;
	[sflag:s28] =	ssyncadd.s32 $0xFFFFC000  }
0x2d: {  	v3 =	vld [tilespmem:s2+$0xFFFFFFE0]  }
0x2e: {  	v2 =	vld [tilespmem:s2+$0x10]  }
0x2f: {  	v4 =	vld [tilespmem:s2+$0xFFFFFFF0]  }
0x30: {  	s1 =	simm.s32 $0x20;
	v5 =	vld [tilespmem:s2+$0x0]  }
0x31: {  	v6 =	vld [tilespmem:s1+$0x10]  }
0x32: {  	v1 =	vmul.f32 $1.000000000e+01, v1;
	v9 =	vld [tilespmem:s1+$0x0];
	v7 =	vsub.f32 v3, v0  }
0x33: {  	v12 =	vld [tilespmem:s1+$0xFFFFFFF0];
	s2 =	simm.s32 $0x8060  }
0x34: {  	v15 =	vld [tilespmem:s2+$0xFFFFFFF0];
	v8 =	vsub.f32 v4, v0;
	v7 =	vmul.f32 v7, v1  }
0x35: {  	v10 =	vsub.f32 v2, v0;
	v11 =	vsub.f32 v5, v0  }
0x36: {  	v6 =	vsub.f32 v6, v2;
	v8 =	vmul.f32 v8, v1;
	v7 =	vtrunc.f32 v7  }
0x37: {  	v13 =	vld [tilespmem:s1+$0xFFFFFFE0];
	v5 =	vsub.f32 v9, v5;
	v10 =	vmul.f32 v10, v1;
	v7 =	vcvt.f32.s32 v7  }
0x38: {  	v4 =	vsub.f32 v12, v4;
	v11 =	vmul.f32 v11, v1;
	v2 =	vtrunc.f32 v8  }
0x39: {  	v17 =	vld [tilespmem:s2+$0x10];
	v14 =	vsub.f32 v15, v0;
	v8 =	vcvt.f32.s32 v2;
	vm0 =	vgt.s32 v7, $0x0  }
0x3a: {  	v10 =	vtrunc.f32 v10;
	v2 =	vtrunc.f32 v11;
	v7 =	vnsel vm0, $0x0, v7  }
0x3b: {  	v9 =	vcvt.f32.s32 v2;
	v2 =	vld [tilespmem:s2+$0xFFFFFFE0];
	vm13 =	vgt.s32 v8, $0x0;
	v7 =	vmin.u32 v7, $0x9  }
0x3c: {  	s1 =	simm.s32 $0x60;
	v12 =	vld [tilespmem:s2+$0x0];
	v11 =	vsub.f32 v13, v3;
	v3 =	vnsel vm13, $0x0, v8;
	v8 =	vcvt.f32.s32 v10  }
0x3d: {  	v18 =	vld [tilespmem:s1+$0x10];
	v25 =	vmul.f32 v14, v1;
	vm14 =	vgt.s32 v9, $0x0;
	v13 =	vmin.u32 v3, $0x9  }
0x3e: {  	v19 =	vld [tilespmem:s1+$0x0];
	v10 =	vsub.f32 v17, v0;
	v3 =	vnsel vm14, $0x0, v9;
	vm15 =	vgt.s32 v8, $0x0  }
0x3f: {  	v21 =	vld [tilespmem:s1+$0xFFFFFFF0];
	v9 =	vmul.f32 v4, v4;
	v20 =	vmin.u32 v3, $0x9;
	v8 =	vnsel vm15, $0x0, v8  }
0x40: {  	v3 =	vmul.f32 v6, v6;
	v16 =	vsub.f32 v2, v0;
	v23 =	vmin.u32 v8, $0x9;
	v22 =	vld.idx.msk [tilespmem:v7+s21+$0x0], $0xffff  }
0x41: {  	v4 =	vsub.f32 v12, v0;
	v6 =	vmul.f32 v5, v5;
	v5 =	vmul.f32 v10, v1;
	v10 =	vld [tilespmem:s1+$0xFFFFFFE0]  }
0x42: {  	v24 =	vmul.f32 v11, v11;
	v8 =	vimm.f32 $0.0e+00;
	v7 =	vmul.f32 v16, v1;
	v13 =	vld.idx.msk [tilespmem:v13+s21+$0x0], $0xffff  }
0x43: {  	v14 =	vtrunc.f32 v5;
	v5 =	vsub.f32 v19, v12;
	v16 =	vmul.f32 v4, v1  }
0x44: {  	v4 =	vsub.f32 v18, v17;
	v18 =	vtrunc.f32 v25;
	v11 =	vld.idx.msk [tilespmem:v20+s21+$0x0], $0xffff;
	v7 =	vtrunc.f32 v7  }
0x45: {  	s0 =	simm.s32 $0x4;
	s2 =	simm.s32 $0x80A0;
	v17 =	vcvt.f32.s32 v7;
	v7 =	vsub.f32 v21, v15;
	v12 =	vld.idx.msk [tilespmem:v23+s21+$0x0], $0xffff;
	v15 =	vmul.f32 v24, v22  }
.LBB2_2:
0x46: {  	v19 =	vld [tilespmem:s2+$0x10];
	v20 =	vsub.f32 v10, v2;
	v10 =	vcvt.f32.s32 v18;
	v2 =	vtrunc.f32 v16  }
0x47: {  	v9 =	vmul.f32 v9, v13;
	v21 =	vld [tilespmem:s2+$0xFFFFFFF0];
	vm0 =	vgt.s32 v17, $0x0;
	v8 =	vadd.f32 v15, v8  }
0x48: {  	v15 =	vcvt.f32.s32 v2;
	v13 =	vnsel vm0, $0x0, v17;
	vm0 =	vgt.s32 v10, $0x0  }
0x49: {  	s1 =	sadd.s32 $0x40, s1;
	v6 =	vmul.f32 v6, v11;
	v2 =	vld [tilespmem:s2+$0xFFFFFFE0];
	v13 =	vmin.u32 v13, $0x9;
	v8 =	vadd.f32 v9, v8  }
0x4a: {  	s0 =	sadd.s32 $0x4, s0;
	v9 =	vnsel vm0, $0x0, v10;
	vm0 =	vgt.s32 v15, $0x0;
	v10 =	vcvt.f32.s32 v14;
	v11 =	vld [tilespmem:s1+$0x10]  }
0x4b: {  	p0 =	slt.u32 s0, $0x3FC;
	v14 =	vmin.u32 v9, $0x9;
	v3 =	vmul.f32 v3, v12;
	v17 =	vld [tilespmem:s2+$0x0];
	v6 =	vadd.f32 v6, v8  }
0x4c: {  	v16 =	vsub.f32 v19, v0;
	v8 =	vnsel vm0, $0x0, v15;
	v12 =	vsub.f32 v21, v0;
	v22 =	vld [tilespmem:s1+$0x0]  }
0x4d: {  	vm0 =	vgt.s32 v10, $0x0;
	v18 =	vmin.u32 v8, $0x9;
	v15 =	vld [tilespmem:s1+$0xFFFFFFF0];
	v8 =	vadd.f32 v3, v6  }
0x4e: {  	v3 =	vmul.f32 v4, v4;
	v23 =	vsub.f32 v2, v0;
	v24 =	vld.idx.msk [tilespmem:v13+s21+$0x0], $0xffff;
	v13 =	vnsel vm0, $0x0, v10  }
0x4f: {  	v9 =	vmul.f32 v7, v7;
	v6 =	vmul.f32 v5, v5;
	v10 =	vld [tilespmem:s1+$0xFFFFFFE0];
	v25 =	vmin.u32 v13, $0x9  }
.Ltmp0:
0x50: {  	v20 =	vmul.f32 v20, v20;
	v5 =	vmul.f32 v16, v1;
	v4 =	vsub.f32 v17, v0;
	v13 =	vld.idx.msk [tilespmem:v14+s21+$0x0], $0xffff;
	(pc) =	sbr.rel @p0 .LBB2_2-.Ltmp0, $4  }
0x51: {  	v12 =	vmul.f32 v12, v1;
	v7 =	vmul.f32 v23, v1  }
0x52: {  	v14 =	vtrunc.f32 v5;
	v16 =	vmul.f32 v4, v1;
	v4 =	vsub.f32 v11, v19;
	v11 =	vld.idx.msk [tilespmem:v18+s21+$0x0], $0xffff  }
0x53: {  	v5 =	vsub.f32 v22, v17;
	v7 =	vtrunc.f32 v7;
	v18 =	vtrunc.f32 v12  }
0x54: {  	s2 =	sadd.s32 $0x40, s2;
	v17 =	vcvt.f32.s32 v7;
	v7 =	vsub.f32 v15, v21;
	v15 =	vmul.f32 v20, v24;
	v12 =	vld.idx.msk [tilespmem:v25+s21+$0x0], $0xffff  }
0x55: {  	v18 =	vcvt.f32.s32 v18  }
0x56: {  	v16 =	vtrunc.f32 v16;
	v14 =	vcvt.f32.s32 v14;
	vm0 =	vgt.s32 v17, $0x0  }
0x57: {  	v16 =	vcvt.f32.s32 v16;
	v17 =	vnsel vm0, $0x0, v17;
	vm9 =	vgt.s32 v18, $0x0  }
0x58: {  	vm11 =	vgt.s32 v14, $0x0;
	v17 =	vmin.u32 v17, $0x9;
	v18 =	vnsel vm9, $0x0, v18  }
0x59: {  	vm10 =	vgt.s32 v16, $0x0;
	v14 =	vnsel vm11, $0x0, v14;
	v18 =	vmin.u32 v18, $0x9  }
0x5a: {  	v16 =	vnsel vm10, $0x0, v16;
	v14 =	vmin.u32 v14, $0x9  }
0x5b: {  	v16 =	vmin.u32 v16, $0x9;
	_ =	sdelay $0x1  }
0x5c: {  	v17 =	vld.idx.msk [tilespmem:v17+s21+$0x0], $0xffff  }
0x5d: {  	v18 =	vld.idx.msk [tilespmem:v18+s21+$0x0], $0xffff  }
0x5e: {  	v14 =	vld.idx.msk [tilespmem:v14+s21+$0x0], $0xffff  }
0x5f: {  	v16 =	vld.idx.msk [tilespmem:v16+s21+$0x0], $0xffff;
	[tilespmem:s4], [sflag:$0x1] =	stream.linear.gather [hbm4b:s9+s4], $0x4000, $0x38  }
0x60: {  	_ = 	snop  }
0x61: {  	[tilespmem:s24], [sflag:$0x1] =	stream.linear.gather [hbm4b:s10+s4], $0x4000, $0x38;
	[tilespmem:$0x10180] =	vst v63  }
0x62: {  	_ =	swait.ge [sflag:s29], $0x4000  }
0x63: {  	v9 =	vmul.f32 v9, v13;
	v8 =	vadd.f32 v15, v8;
	[sflag:s29] =	ssyncset.done $0x0  }
0x64: {  	[sflag:s29] =	ssyncadd.s32 $0xFFFFC000  }
0x65: {  	v2 =	vsub.f32 v10, v2;
	v6 =	vmul.f32 v6, v11;
	v8 =	vadd.f32 v9, v8;
	_ =	swait.ge [sflag:s29], $0x4000  }
0x66: {  	[sflag:s29] =	ssyncset.done $0x0  }
0x67: {  	s0 =	simm.s32 $0xC020;
	v2 =	vmul.f32 v2, v2;
	v3 =	vmul.f32 v3, v12;
	v6 =	vadd.f32 v6, v8;
	[sflag:s29] =	ssyncadd.s32 $0xFFFFC000  }
0x68: {  	v9 =	vld [tilespmem:s0+$0x10]  }
0x69: {  	v3 =	vadd.f32 v3, v6;
	v6 =	vmul.f32 v7, v7;
	v2 =	vmul.f32 v2, v17;
	v10 =	vld [tilespmem:s0+$0xFFFFFFE0]  }
0x6a: {  	v8 =	vld [tilespmem:s0+$0xFFFFFFF0]  }
0x6b: {  	v5 =	vmul.f32 v5, v5;
	s1 =	simm.s32 $0x4020;
	v2 =	vadd.f32 v2, v3;
	v3 =	vmul.f32 v6, v18;
	v11 =	vld [tilespmem:s0+$0x0]  }
0x6c: {  	v6 =	vld [tilespmem:s1+$0x10]  }
0x6d: {  	v5 =	vmul.f32 v5, v16;
	v2 =	vadd.f32 v3, v2;
	v13 =	vld [tilespmem:s1+$0x0]  }
0x6e: {  	v3 =	vld [tilespmem:s1+$0xFFFFFFF0];
	v7 =	vsub.f32 v10, v0  }
0x6f: {  	v4 =	vmul.f32 v4, v4;
	v16 =	vld [tilespmem:s1+$0xFFFFFFE0];
	v5 =	vadd.f32 v5, v2  }
0x70: {  	s2 =	simm.s32 $0xC060;
	v12 =	vsub.f32 v8, v0;
	v15 =	vsub.f32 v9, v0;
	v7 =	vmul.f32 v7, v1  }
0x71: {  	v4 =	vmul.f32 v4, v14;
	v17 =	vld [tilespmem:s2+$0x10];
	v14 =	vsub.f32 v11, v0;
	v6 =	vsub.f32 v6, v9  }
0x72: {  	v11 =	vsub.f32 v13, v11;
	v12 =	vmul.f32 v12, v1;
	v7 =	vtrunc.f32 v7  }
0x73: {  	v8 =	vsub.f32 v3, v8;
	v14 =	vmul.f32 v14, v1;
	v2 =	vcvt.f32.s32 v7  }
0x74: {  	v10 =	vsub.f32 v16, v10;
	v15 =	vmul.f32 v15, v1;
	v7 =	vtrunc.f32 v12;
	v12 =	vld [tilespmem:s2+$0xFFFFFFF0]  }
0x75: {  	v9 =	vtrunc.f32 v14;
	v7 =	vcvt.f32.s32 v7;
	vm12 =	vgt.s32 v2, $0x0  }
0x76: {  	v20 =	vsub.f32 v17, v0;
	v9 =	vcvt.f32.s32 v9;
	v3 =	vnsel vm12, $0x0, v2  }
0x77: {  	s1 =	simm.s32 $0x4060;
	v15 =	vtrunc.f32 v15;
	v2 =	vld [tilespmem:s2+$0xFFFFFFE0];
	vm13 =	vgt.s32 v7, $0x0;
	v13 =	vmin.u32 v3, $0x9  }
0x78: {  	v18 =	vld [tilespmem:s1+$0x10];
	vm14 =	vgt.s32 v9, $0x0;
	v3 =	vnsel vm13, $0x0, v7;
	v7 =	vcvt.f32.s32 v15  }
0x79: {  	v15 =	vld [tilespmem:s2+$0x0];
	v14 =	vmin.u32 v3, $0x9;
	v16 =	vsub.f32 v12, v0;
	v3 =	vnsel vm14, $0x0, v9  }
0x7a: {  	v19 =	vld [tilespmem:s1+$0x0];
	v9 =	vmul.f32 v8, v8;
	v21 =	vmin.u32 v3, $0x9;
	vm15 =	vgt.s32 v7, $0x0  }
0x7b: {  	v22 =	vld [tilespmem:s1+$0xFFFFFFF0];
	v3 =	vmul.f32 v6, v6;
	v6 =	vmul.f32 v11, v11;
	v7 =	vnsel vm15, $0x0, v7  }
0x7c: {  	v11 =	vmul.f32 v20, v1;
	v23 =	vsub.f32 v2, v0;
	v25 =	vmin.u32 v7, $0x9;
	v24 =	vld.idx.msk [tilespmem:v13+s21+$0x0], $0xffff  }
0x7d: {  	v20 =	vmul.f32 v10, v10;
	v10 =	vld [tilespmem:s1+$0xFFFFFFE0];
	v63 =	vmul.f32 v16, v1  }
0x7e: {  	v8 =	vadd.f32 v4, v5;
	v7 =	vsub.f32 v15, v0;
	v5 =	vmul.f32 v23, v1;
	v13 =	vld.idx.msk [tilespmem:v14+s21+$0x0], $0xffff  }
0x7f: {  	v4 =	vsub.f32 v18, v17;
	v18 =	vtrunc.f32 v63;
	v14 =	vtrunc.f32 v11  }
0x80: {  	v16 =	vmul.f32 v7, v1;
	v11 =	vld.idx.msk [tilespmem:v21+s21+$0x0], $0xffff;
	v7 =	vtrunc.f32 v5;
	v5 =	vsub.f32 v19, v15  }
0x81: {  	s0 =	simm.s32 $0x4;
	s2 =	simm.s32 $0xC0A0;
	v17 =	vcvt.f32.s32 v7;
	v7 =	vsub.f32 v22, v12;
	v12 =	vld.idx.msk [tilespmem:v25+s21+$0x0], $0xffff;
	v15 =	vmul.f32 v20, v24  }
.LBB2_4:
0x82: {  	v19 =	vld [tilespmem:s2+$0x10];
	v20 =	vsub.f32 v10, v2;
	v10 =	vcvt.f32.s32 v18;
	v2 =	vtrunc.f32 v16  }
0x83: {  	v9 =	vmul.f32 v9, v13;
	v21 =	vld [tilespmem:s2+$0xFFFFFFF0];
	vm0 =	vgt.s32 v17, $0x0;
	v8 =	vadd.f32 v15, v8  }
0x84: {  	v15 =	vcvt.f32.s32 v2;
	v13 =	vnsel vm0, $0x0, v17;
	vm0 =	vgt.s32 v10, $0x0  }
0x85: {  	s1 =	sadd.s32 $0x40, s1;
	v6 =	vmul.f32 v6, v11;
	v2 =	vld [tilespmem:s2+$0xFFFFFFE0];
	v13 =	vmin.u32 v13, $0x9;
	v8 =	vadd.f32 v9, v8  }
0x86: {  	s0 =	sadd.s32 $0x4, s0;
	v9 =	vnsel vm0, $0x0, v10;
	vm0 =	vgt.s32 v15, $0x0;
	v10 =	vcvt.f32.s32 v14;
	v11 =	vld [tilespmem:s1+$0x10]  }
0x87: {  	p0 =	slt.u32 s0, $0x3FC;
	v14 =	vmin.u32 v9, $0x9;
	v3 =	vmul.f32 v3, v12;
	v17 =	vld [tilespmem:s2+$0x0];
	v6 =	vadd.f32 v6, v8  }
0x88: {  	v16 =	vsub.f32 v19, v0;
	v8 =	vnsel vm0, $0x0, v15;
	v12 =	vsub.f32 v21, v0;
	v22 =	vld [tilespmem:s1+$0x0]  }
0x89: {  	vm0 =	vgt.s32 v10, $0x0;
	v18 =	vmin.u32 v8, $0x9;
	v15 =	vld [tilespmem:s1+$0xFFFFFFF0];
	v8 =	vadd.f32 v3, v6  }
0x8a: {  	v3 =	vmul.f32 v4, v4;
	v23 =	vsub.f32 v2, v0;
	v24 =	vld.idx.msk [tilespmem:v13+s21+$0x0], $0xffff;
	v13 =	vnsel vm0, $0x0, v10  }
0x8b: {  	v9 =	vmul.f32 v7, v7;
	v6 =	vmul.f32 v5, v5;
	v10 =	vld [tilespmem:s1+$0xFFFFFFE0];
	v25 =	vmin.u32 v13, $0x9  }
.Ltmp1:
0x8c: {  	v20 =	vmul.f32 v20, v20;
	v5 =	vmul.f32 v16, v1;
	v4 =	vsub.f32 v17, v0;
	v13 =	vld.idx.msk [tilespmem:v14+s21+$0x0], $0xffff;
	(pc) =	sbr.rel @p0 .LBB2_4-.Ltmp1, $4  }
0x8d: {  	v12 =	vmul.f32 v12, v1;
	v7 =	vmul.f32 v23, v1  }
0x8e: {  	v14 =	vtrunc.f32 v5;
	v16 =	vmul.f32 v4, v1;
	v4 =	vsub.f32 v11, v19;
	v11 =	vld.idx.msk [tilespmem:v18+s21+$0x0], $0xffff  }
0x8f: {  	v5 =	vsub.f32 v22, v17;
	v7 =	vtrunc.f32 v7;
	v18 =	vtrunc.f32 v12  }
0x90: {  	s2 =	sadd.s32 $0x40, s2;
	v17 =	vcvt.f32.s32 v7;
	v7 =	vsub.f32 v15, v21;
	v15 =	vmul.f32 v20, v24;
	v12 =	vld.idx.msk [tilespmem:v25+s21+$0x0], $0xffff  }
0x91: {  	v18 =	vcvt.f32.s32 v18  }
0x92: {  	v16 =	vtrunc.f32 v16;
	v14 =	vcvt.f32.s32 v14;
	vm0 =	vgt.s32 v17, $0x0  }
0x93: {  	v16 =	vcvt.f32.s32 v16;
	v17 =	vnsel vm0, $0x0, v17;
	vm9 =	vgt.s32 v18, $0x0  }
0x94: {  	vm11 =	vgt.s32 v14, $0x0;
	v17 =	vmin.u32 v17, $0x9;
	v18 =	vnsel vm9, $0x0, v18  }
0x95: {  	vm10 =	vgt.s32 v16, $0x0;
	v14 =	vnsel vm11, $0x0, v14;
	v18 =	vmin.u32 v18, $0x9  }
0x96: {  	v16 =	vnsel vm10, $0x0, v16;
	v14 =	vmin.u32 v14, $0x9  }
0x97: {  	v16 =	vmin.u32 v16, $0x9;
	_ =	sdelay $0x1  }
0x98: {  	v17 =	vld.idx.msk [tilespmem:v17+s21+$0x0], $0xffff  }
0x99: {  	v18 =	vld.idx.msk [tilespmem:v18+s21+$0x0], $0xffff  }
0x9a: {  	v14 =	vld.idx.msk [tilespmem:v14+s21+$0x0], $0xffff  }
0x9b: {  	v16 =	vld.idx.msk [tilespmem:v16+s21+$0x0], $0xffff;
	[tilespmem:s25], [sflag:$0x2] =	stream.linear.gather [hbm4b:s11+s4], $0x4000, $0x38  }
0x9c: {  	_ = 	snop  }
0x9d: {  	[tilespmem:s26], [sflag:$0x2] =	stream.linear.gather [hbm4b:s12+s4], $0x4000, $0x38;
	[tilespmem:$0x10180] =	vst v63  }
0x9e: {  	_ =	swait.ge [sflag:s28], $0x4000  }
0x9f: {  	v9 =	vmul.f32 v9, v13;
	v8 =	vadd.f32 v15, v8;
	[sflag:s28] =	ssyncset.done $0x0  }
0xa0: {  	[sflag:s28] =	ssyncadd.s32 $0xFFFFC000  }
0xa1: {  	v2 =	vsub.f32 v10, v2;
	v6 =	vmul.f32 v6, v11;
	v8 =	vadd.f32 v9, v8;
	_ =	swait.ge [sflag:s28], $0x4000  }
0xa2: {  	[sflag:s28] =	ssyncset.done $0x0  }
0xa3: {  	s0 =	simm.s32 $0x8020;
	v2 =	vmul.f32 v2, v2;
	v3 =	vmul.f32 v3, v12;
	v6 =	vadd.f32 v6, v8;
	[sflag:s28] =	ssyncadd.s32 $0xFFFFC000  }
0xa4: {  	v9 =	vld [tilespmem:s0+$0x10]  }
0xa5: {  	v3 =	vadd.f32 v3, v6;
	v6 =	vmul.f32 v7, v7;
	v2 =	vmul.f32 v2, v17;
	v10 =	vld [tilespmem:s0+$0xFFFFFFE0]  }
0xa6: {  	v8 =	vld [tilespmem:s0+$0xFFFFFFF0]  }
0xa7: {  	v5 =	vmul.f32 v5, v5;
	s1 =	simm.s32 $0x20;
	v2 =	vadd.f32 v2, v3;
	v3 =	vmul.f32 v6, v18;
	v11 =	vld [tilespmem:s0+$0x0]  }
0xa8: {  	v6 =	vld [tilespmem:s1+$0x10]  }
0xa9: {  	v5 =	vmul.f32 v5, v16;
	v2 =	vadd.f32 v3, v2;
	v13 =	vld [tilespmem:s1+$0x0]  }
0xaa: {  	v3 =	vld [tilespmem:s1+$0xFFFFFFF0];
	v7 =	vsub.f32 v10, v0  }
0xab: {  	v4 =	vmul.f32 v4, v4;
	v16 =	vld [tilespmem:s1+$0xFFFFFFE0];
	v5 =	vadd.f32 v5, v2  }
0xac: {  	s2 =	simm.s32 $0x8060;
	v12 =	vsub.f32 v8, v0;
	v15 =	vsub.f32 v9, v0;
	v7 =	vmul.f32 v7, v1  }
0xad: {  	v4 =	vmul.f32 v4, v14;
	v17 =	vld [tilespmem:s2+$0x10];
	v14 =	vsub.f32 v11, v0;
	v6 =	vsub.f32 v6, v9  }
0xae: {  	v11 =	vsub.f32 v13, v11;
	v12 =	vmul.f32 v12, v1;
	v7 =	vtrunc.f32 v7  }
0xaf: {  	v8 =	vsub.f32 v3, v8;
	v14 =	vmul.f32 v14, v1;
	v2 =	vcvt.f32.s32 v7  }
0xb0: {  	v10 =	vsub.f32 v16, v10;
	v15 =	vmul.f32 v15, v1;
	v7 =	vtrunc.f32 v12;
	v12 =	vld [tilespmem:s2+$0xFFFFFFF0]  }
0xb1: {  	v9 =	vtrunc.f32 v14;
	v7 =	vcvt.f32.s32 v7;
	vm12 =	vgt.s32 v2, $0x0  }
0xb2: {  	v20 =	vsub.f32 v17, v0;
	v9 =	vcvt.f32.s32 v9;
	v3 =	vnsel vm12, $0x0, v2  }
0xb3: {  	s1 =	simm.s32 $0x60;
	v15 =	vtrunc.f32 v15;
	v2 =	vld [tilespmem:s2+$0xFFFFFFE0];
	vm13 =	vgt.s32 v7, $0x0;
	v13 =	vmin.u32 v3, $0x9  }
0xb4: {  	v18 =	vld [tilespmem:s1+$0x10];
	vm14 =	vgt.s32 v9, $0x0;
	v3 =	vnsel vm13, $0x0, v7;
	v7 =	vcvt.f32.s32 v15  }
0xb5: {  	v15 =	vld [tilespmem:s2+$0x0];
	v14 =	vmin.u32 v3, $0x9;
	v16 =	vsub.f32 v12, v0;
	v3 =	vnsel vm14, $0x0, v9  }
0xb6: {  	v19 =	vld [tilespmem:s1+$0x0];
	v9 =	vmul.f32 v8, v8;
	v21 =	vmin.u32 v3, $0x9;
	vm15 =	vgt.s32 v7, $0x0  }
0xb7: {  	v22 =	vld [tilespmem:s1+$0xFFFFFFF0];
	v3 =	vmul.f32 v6, v6;
	v6 =	vmul.f32 v11, v11;
	v7 =	vnsel vm15, $0x0, v7  }
0xb8: {  	v11 =	vmul.f32 v20, v1;
	v23 =	vsub.f32 v2, v0;
	v25 =	vmin.u32 v7, $0x9;
	v24 =	vld.idx.msk [tilespmem:v13+s21+$0x0], $0xffff  }
0xb9: {  	v20 =	vmul.f32 v10, v10;
	v10 =	vld [tilespmem:s1+$0xFFFFFFE0];
	v63 =	vmul.f32 v16, v1  }
0xba: {  	v8 =	vadd.f32 v4, v5;
	v7 =	vsub.f32 v15, v0;
	v5 =	vmul.f32 v23, v1;
	v13 =	vld.idx.msk [tilespmem:v14+s21+$0x0], $0xffff  }
0xbb: {  	v4 =	vsub.f32 v18, v17;
	v18 =	vtrunc.f32 v63;
	v14 =	vtrunc.f32 v11  }
0xbc: {  	v16 =	vmul.f32 v7, v1;
	v11 =	vld.idx.msk [tilespmem:v21+s21+$0x0], $0xffff;
	v7 =	vtrunc.f32 v5;
	v5 =	vsub.f32 v19, v15  }
0xbd: {  	s0 =	simm.s32 $0x4;
	s2 =	simm.s32 $0x80A0;
	v17 =	vcvt.f32.s32 v7;
	v7 =	vsub.f32 v22, v12;
	v12 =	vld.idx.msk [tilespmem:v25+s21+$0x0], $0xffff;
	v15 =	vmul.f32 v20, v24  }
.LBB2_6:
0xbe: {  	v19 =	vld [tilespmem:s2+$0x10];
	v20 =	vsub.f32 v10, v2;
	v10 =	vcvt.f32.s32 v18;
	v2 =	vtrunc.f32 v16  }
0xbf: {  	v9 =	vmul.f32 v9, v13;
	v21 =	vld [tilespmem:s2+$0xFFFFFFF0];
	vm0 =	vgt.s32 v17, $0x0;
	v8 =	vadd.f32 v15, v8  }
0xc0: {  	v15 =	vcvt.f32.s32 v2;
	v13 =	vnsel vm0, $0x0, v17;
	vm0 =	vgt.s32 v10, $0x0  }
0xc1: {  	s1 =	sadd.s32 $0x40, s1;
	v6 =	vmul.f32 v6, v11;
	v2 =	vld [tilespmem:s2+$0xFFFFFFE0];
	v13 =	vmin.u32 v13, $0x9;
	v8 =	vadd.f32 v9, v8  }
0xc2: {  	s0 =	sadd.s32 $0x4, s0;
	v9 =	vnsel vm0, $0x0, v10;
	vm0 =	vgt.s32 v15, $0x0;
	v10 =	vcvt.f32.s32 v14;
	v11 =	vld [tilespmem:s1+$0x10]  }
0xc3: {  	p0 =	slt.u32 s0, $0x3FC;
	v14 =	vmin.u32 v9, $0x9;
	v3 =	vmul.f32 v3, v12;
	v17 =	vld [tilespmem:s2+$0x0];
	v6 =	vadd.f32 v6, v8  }
0xc4: {  	v16 =	vsub.f32 v19, v0;
	v8 =	vnsel vm0, $0x0, v15;
	v12 =	vsub.f32 v21, v0;
	v22 =	vld [tilespmem:s1+$0x0]  }
0xc5: {  	vm0 =	vgt.s32 v10, $0x0;
	v18 =	vmin.u32 v8, $0x9;
	v15 =	vld [tilespmem:s1+$0xFFFFFFF0];
	v8 =	vadd.f32 v3, v6  }
0xc6: {  	v3 =	vmul.f32 v4, v4;
	v23 =	vsub.f32 v2, v0;
	v24 =	vld.idx.msk [tilespmem:v13+s21+$0x0], $0xffff;
	v13 =	vnsel vm0, $0x0, v10  }
0xc7: {  	v9 =	vmul.f32 v7, v7;
	v6 =	vmul.f32 v5, v5;
	v10 =	vld [tilespmem:s1+$0xFFFFFFE0];
	v25 =	vmin.u32 v13, $0x9  }
.Ltmp2:
0xc8: {  	v20 =	vmul.f32 v20, v20;
	v5 =	vmul.f32 v16, v1;
	v4 =	vsub.f32 v17, v0;
	v13 =	vld.idx.msk [tilespmem:v14+s21+$0x0], $0xffff;
	(pc) =	sbr.rel @p0 .LBB2_6-.Ltmp2, $4  }
0xc9: {  	v12 =	vmul.f32 v12, v1;
	v7 =	vmul.f32 v23, v1  }
0xca: {  	v14 =	vtrunc.f32 v5;
	v16 =	vmul.f32 v4, v1;
	v4 =	vsub.f32 v11, v19;
	v11 =	vld.idx.msk [tilespmem:v18+s21+$0x0], $0xffff  }
0xcb: {  	v5 =	vsub.f32 v22, v17;
	v7 =	vtrunc.f32 v7;
	v18 =	vtrunc.f32 v12  }
0xcc: {  	s2 =	sadd.s32 $0x40, s2;
	v17 =	vcvt.f32.s32 v7;
	v7 =	vsub.f32 v15, v21;
	v15 =	vmul.f32 v20, v24;
	v12 =	vld.idx.msk [tilespmem:v25+s21+$0x0], $0xffff  }
0xcd: {  	v18 =	vcvt.f32.s32 v18  }
0xce: {  	v16 =	vtrunc.f32 v16;
	v14 =	vcvt.f32.s32 v14;
	vm0 =	vgt.s32 v17, $0x0  }
0xcf: {  	v16 =	vcvt.f32.s32 v16;
	v17 =	vnsel vm0, $0x0, v17;
	vm9 =	vgt.s32 v18, $0x0  }
0xd0: {  	vm11 =	vgt.s32 v14, $0x0;
	v17 =	vmin.u32 v17, $0x9;
	v18 =	vnsel vm9, $0x0, v18  }
0xd1: {  	vm10 =	vgt.s32 v16, $0x0;
	v14 =	vnsel vm11, $0x0, v14;
	v18 =	vmin.u32 v18, $0x9  }
0xd2: {  	v16 =	vnsel vm10, $0x0, v16;
	v14 =	vmin.u32 v14, $0x9  }
0xd3: {  	v16 =	vmin.u32 v16, $0x9;
	_ =	sdelay $0x1  }
0xd4: {  	v17 =	vld.idx.msk [tilespmem:v17+s21+$0x0], $0xffff  }
0xd5: {  	v18 =	vld.idx.msk [tilespmem:v18+s21+$0x0], $0xffff  }
0xd6: {  	v14 =	vld.idx.msk [tilespmem:v14+s21+$0x0], $0xffff  }
0xd7: {  	v16 =	vld.idx.msk [tilespmem:v16+s21+$0x0], $0xffff;
	[tilespmem:s4], [sflag:$0x1] =	stream.linear.gather [hbm4b:s13+s4], $0x4000, $0x38  }
0xd8: {  	_ = 	snop  }
0xd9: {  	[tilespmem:s24], [sflag:$0x1] =	stream.linear.gather [hbm4b:s14+s4], $0x4000, $0x38;
	[tilespmem:$0x10180] =	vst v63  }
0xda: {  	_ =	swait.ge [sflag:s29], $0x4000  }
0xdb: {  	v9 =	vmul.f32 v9, v13;
	v8 =	vadd.f32 v15, v8;
	[sflag:s29] =	ssyncset.done $0x0  }
0xdc: {  	[sflag:s29] =	ssyncadd.s32 $0xFFFFC000  }
0xdd: {  	v2 =	vsub.f32 v10, v2;
	v6 =	vmul.f32 v6, v11;
	v8 =	vadd.f32 v9, v8;
	_ =	swait.ge [sflag:s29], $0x4000  }
0xde: {  	[sflag:s29] =	ssyncset.done $0x0  }
0xdf: {  	s0 =	simm.s32 $0xC020;
	v2 =	vmul.f32 v2, v2;
	v3 =	vmul.f32 v3, v12;
	v6 =	vadd.f32 v6, v8;
	[sflag:s29] =	ssyncadd.s32 $0xFFFFC000  }
0xe0: {  	v9 =	vld [tilespmem:s0+$0x10]  }
0xe1: {  	v3 =	vadd.f32 v3, v6;
	v6 =	vmul.f32 v7, v7;
	v2 =	vmul.f32 v2, v17;
	v10 =	vld [tilespmem:s0+$0xFFFFFFE0]  }
0xe2: {  	v8 =	vld [tilespmem:s0+$0xFFFFFFF0]  }
0xe3: {  	v5 =	vmul.f32 v5, v5;
	s1 =	simm.s32 $0x4020;
	v2 =	vadd.f32 v2, v3;
	v3 =	vmul.f32 v6, v18;
	v11 =	vld [tilespmem:s0+$0x0]  }
0xe4: {  	v6 =	vld [tilespmem:s1+$0x10]  }
0xe5: {  	v5 =	vmul.f32 v5, v16;
	v2 =	vadd.f32 v3, v2;
	v13 =	vld [tilespmem:s1+$0x0]  }
0xe6: {  	v3 =	vld [tilespmem:s1+$0xFFFFFFF0];
	v7 =	vsub.f32 v10, v0  }
0xe7: {  	v4 =	vmul.f32 v4, v4;
	v16 =	vld [tilespmem:s1+$0xFFFFFFE0];
	v5 =	vadd.f32 v5, v2  }
0xe8: {  	s2 =	simm.s32 $0xC060;
	v12 =	vsub.f32 v8, v0;
	v15 =	vsub.f32 v9, v0;
	v7 =	vmul.f32 v7, v1  }
0xe9: {  	v4 =	vmul.f32 v4, v14;
	v17 =	vld [tilespmem:s2+$0x10];
	v14 =	vsub.f32 v11, v0;
	v6 =	vsub.f32 v6, v9  }
0xea: {  	v11 =	vsub.f32 v13, v11;
	v12 =	vmul.f32 v12, v1;
	v7 =	vtrunc.f32 v7  }
0xeb: {  	v8 =	vsub.f32 v3, v8;
	v14 =	vmul.f32 v14, v1;
	v2 =	vcvt.f32.s32 v7  }
0xec: {  	v10 =	vsub.f32 v16, v10;
	v15 =	vmul.f32 v15, v1;
	v7 =	vtrunc.f32 v12;
	v12 =	vld [tilespmem:s2+$0xFFFFFFF0]  }
0xed: {  	v9 =	vtrunc.f32 v14;
	v7 =	vcvt.f32.s32 v7;
	vm12 =	vgt.s32 v2, $0x0  }
0xee: {  	v20 =	vsub.f32 v17, v0;
	v9 =	vcvt.f32.s32 v9;
	v3 =	vnsel vm12, $0x0, v2  }
0xef: {  	s1 =	simm.s32 $0x4060;
	v15 =	vtrunc.f32 v15;
	v2 =	vld [tilespmem:s2+$0xFFFFFFE0];
	vm13 =	vgt.s32 v7, $0x0;
	v13 =	vmin.u32 v3, $0x9  }
0xf0: {  	v18 =	vld [tilespmem:s1+$0x10];
	vm14 =	vgt.s32 v9, $0x0;
	v3 =	vnsel vm13, $0x0, v7;
	v7 =	vcvt.f32.s32 v15  }
0xf1: {  	v15 =	vld [tilespmem:s2+$0x0];
	v14 =	vmin.u32 v3, $0x9;
	v16 =	vsub.f32 v12, v0;
	v3 =	vnsel vm14, $0x0, v9  }
0xf2: {  	v19 =	vld [tilespmem:s1+$0x0];
	v9 =	vmul.f32 v8, v8;
	v21 =	vmin.u32 v3, $0x9;
	vm15 =	vgt.s32 v7, $0x0  }
0xf3: {  	v22 =	vld [tilespmem:s1+$0xFFFFFFF0];
	v3 =	vmul.f32 v6, v6;
	v6 =	vmul.f32 v11, v11;
	v7 =	vnsel vm15, $0x0, v7  }
0xf4: {  	v11 =	vmul.f32 v20, v1;
	v23 =	vsub.f32 v2, v0;
	v25 =	vmin.u32 v7, $0x9;
	v24 =	vld.idx.msk [tilespmem:v13+s21+$0x0], $0xffff  }
0xf5: {  	v20 =	vmul.f32 v10, v10;
	v10 =	vld [tilespmem:s1+$0xFFFFFFE0];
	v63 =	vmul.f32 v16, v1  }
0xf6: {  	v8 =	vadd.f32 v4, v5;
	v7 =	vsub.f32 v15, v0;
	v5 =	vmul.f32 v23, v1;
	v13 =	vld.idx.msk [tilespmem:v14+s21+$0x0], $0xffff  }
0xf7: {  	v4 =	vsub.f32 v18, v17;
	v18 =	vtrunc.f32 v63;
	v14 =	vtrunc.f32 v11  }
0xf8: {  	v16 =	vmul.f32 v7, v1;
	v11 =	vld.idx.msk [tilespmem:v21+s21+$0x0], $0xffff;
	v7 =	vtrunc.f32 v5;
	v5 =	vsub.f32 v19, v15  }
0xf9: {  	s0 =	simm.s32 $0x4;
	s2 =	simm.s32 $0xC0A0;
	v17 =	vcvt.f32.s32 v7;
	v7 =	vsub.f32 v22, v12;
	v12 =	vld.idx.msk [tilespmem:v25+s21+$0x0], $0xffff;
	v15 =	vmul.f32 v20, v24  }
.LBB2_8:
0xfa: {  	v19 =	vld [tilespmem:s2+$0x10];
	v20 =	vsub.f32 v10, v2;
	v10 =	vcvt.f32.s32 v18;
	v2 =	vtrunc.f32 v16  }
0xfb: {  	v9 =	vmul.f32 v9, v13;
	v21 =	vld [tilespmem:s2+$0xFFFFFFF0];
	vm0 =	vgt.s32 v17, $0x0;
	v8 =	vadd.f32 v15, v8  }
0xfc: {  	v15 =	vcvt.f32.s32 v2;
	v13 =	vnsel vm0, $0x0, v17;
	vm0 =	vgt.s32 v10, $0x0  }
0xfd: {  	s1 =	sadd.s32 $0x40, s1;
	v6 =	vmul.f32 v6, v11;
	v2 =	vld [tilespmem:s2+$0xFFFFFFE0];
	v13 =	vmin.u32 v13, $0x9;
	v8 =	vadd.f32 v9, v8  }
0xfe: {  	s0 =	sadd.s32 $0x4, s0;
	v9 =	vnsel vm0, $0x0, v10;
	vm0 =	vgt.s32 v15, $0x0;
	v10 =	vcvt.f32.s32 v14;
	v11 =	vld [tilespmem:s1+$0x10]  }
0xff: {  	p0 =	slt.u32 s0, $0x3FC;
	v14 =	vmin.u32 v9, $0x9;
	v3 =	vmul.f32 v3, v12;
	v17 =	vld [tilespmem:s2+$0x0];
	v6 =	vadd.f32 v6, v8  }
0x100: {  	v16 =	vsub.f32 v19, v0;
	v8 =	vnsel vm0, $0x0, v15;
	v12 =	vsub.f32 v21, v0;
	v22 =	vld [tilespmem:s1+$0x0]  }
0x101: {  	vm0 =	vgt.s32 v10, $0x0;
	v18 =	vmin.u32 v8, $0x9;
	v15 =	vld [tilespmem:s1+$0xFFFFFFF0];
	v8 =	vadd.f32 v3, v6  }
0x102: {  	v3 =	vmul.f32 v4, v4;
	v23 =	vsub.f32 v2, v0;
	v24 =	vld.idx.msk [tilespmem:v13+s21+$0x0], $0xffff;
	v13 =	vnsel vm0, $0x0, v10  }
0x103: {  	v9 =	vmul.f32 v7, v7;
	v6 =	vmul.f32 v5, v5;
	v10 =	vld [tilespmem:s1+$0xFFFFFFE0];
	v25 =	vmin.u32 v13, $0x9  }
.Ltmp3:
0x104: {  	v20 =	vmul.f32 v20, v20;
	v5 =	vmul.f32 v16, v1;
	v4 =	vsub.f32 v17, v0;
	v13 =	vld.idx.msk [tilespmem:v14+s21+$0x0], $0xffff;
	(pc) =	sbr.rel @p0 .LBB2_8-.Ltmp3, $4  }
0x105: {  	v12 =	vmul.f32 v12, v1;
	v7 =	vmul.f32 v23, v1  }
0x106: {  	v14 =	vtrunc.f32 v5;
	v16 =	vmul.f32 v4, v1;
	v4 =	vsub.f32 v11, v19;
	v11 =	vld.idx.msk [tilespmem:v18+s21+$0x0], $0xffff  }
0x107: {  	v5 =	vsub.f32 v22, v17;
	v7 =	vtrunc.f32 v7;
	v18 =	vtrunc.f32 v12  }
0x108: {  	s2 =	sadd.s32 $0x40, s2;
	v17 =	vcvt.f32.s32 v7;
	v7 =	vsub.f32 v15, v21;
	v15 =	vmul.f32 v20, v24;
	v12 =	vld.idx.msk [tilespmem:v25+s21+$0x0], $0xffff  }
0x109: {  	v18 =	vcvt.f32.s32 v18  }
0x10a: {  	v16 =	vtrunc.f32 v16;
	v14 =	vcvt.f32.s32 v14;
	vm0 =	vgt.s32 v17, $0x0  }
0x10b: {  	v16 =	vcvt.f32.s32 v16;
	v17 =	vnsel vm0, $0x0, v17;
	vm9 =	vgt.s32 v18, $0x0  }
0x10c: {  	vm11 =	vgt.s32 v14, $0x0;
	v17 =	vmin.u32 v17, $0x9;
	v18 =	vnsel vm9, $0x0, v18  }
0x10d: {  	vm10 =	vgt.s32 v16, $0x0;
	v14 =	vnsel vm11, $0x0, v14;
	v18 =	vmin.u32 v18, $0x9  }
0x10e: {  	v16 =	vnsel vm10, $0x0, v16;
	v14 =	vmin.u32 v14, $0x9  }
0x10f: {  	v16 =	vmin.u32 v16, $0x9;
	_ =	sdelay $0x1  }
0x110: {  	v17 =	vld.idx.msk [tilespmem:v17+s21+$0x0], $0xffff  }
0x111: {  	v18 =	vld.idx.msk [tilespmem:v18+s21+$0x0], $0xffff  }
0x112: {  	v14 =	vld.idx.msk [tilespmem:v14+s21+$0x0], $0xffff  }
0x113: {  	v16 =	vld.idx.msk [tilespmem:v16+s21+$0x0], $0xffff;
	[tilespmem:s25], [sflag:$0x2] =	stream.linear.gather [hbm4b:s15+s4], $0x4000, $0x38  }
0x114: {  	_ = 	snop  }
0x115: {  	[tilespmem:s26], [sflag:$0x2] =	stream.linear.gather [hbm4b:s16+s4], $0x4000, $0x38;
	[tilespmem:$0x10180] =	vst v63  }
0x116: {  	_ =	swait.ge [sflag:s28], $0x4000  }
0x117: {  	v9 =	vmul.f32 v9, v13;
	v8 =	vadd.f32 v15, v8;
	[sflag:s28] =	ssyncset.done $0x0  }
0x118: {  	[sflag:s28] =	ssyncadd.s32 $0xFFFFC000  }
0x119: {  	v2 =	vsub.f32 v10, v2;
	v6 =	vmul.f32 v6, v11;
	v8 =	vadd.f32 v9, v8;
	_ =	swait.ge [sflag:s28], $0x4000  }
0x11a: {  	[sflag:s28] =	ssyncset.done $0x0  }
0x11b: {  	s0 =	simm.s32 $0x8020;
	v2 =	vmul.f32 v2, v2;
	v3 =	vmul.f32 v3, v12;
	v6 =	vadd.f32 v6, v8;
	[sflag:s28] =	ssyncadd.s32 $0xFFFFC000  }
0x11c: {  	v9 =	vld [tilespmem:s0+$0x10]  }
0x11d: {  	v3 =	vadd.f32 v3, v6;
	v6 =	vmul.f32 v7, v7;
	v2 =	vmul.f32 v2, v17;
	v10 =	vld [tilespmem:s0+$0xFFFFFFE0]  }
0x11e: {  	v8 =	vld [tilespmem:s0+$0xFFFFFFF0]  }
0x11f: {  	v5 =	vmul.f32 v5, v5;
	s1 =	simm.s32 $0x20;
	v2 =	vadd.f32 v2, v3;
	v3 =	vmul.f32 v6, v18;
	v11 =	vld [tilespmem:s0+$0x0]  }
0x120: {  	v6 =	vld [tilespmem:s1+$0x10]  }
0x121: {  	v5 =	vmul.f32 v5, v16;
	v2 =	vadd.f32 v3, v2;
	v13 =	vld [tilespmem:s1+$0x0]  }
0x122: {  	v3 =	vld [tilespmem:s1+$0xFFFFFFF0];
	v7 =	vsub.f32 v10, v0  }
0x123: {  	v4 =	vmul.f32 v4, v4;
	v16 =	vld [tilespmem:s1+$0xFFFFFFE0];
	v5 =	vadd.f32 v5, v2  }
0x124: {  	s2 =	simm.s32 $0x8060;
	v12 =	vsub.f32 v8, v0;
	v15 =	vsub.f32 v9, v0;
	v7 =	vmul.f32 v7, v1  }
0x125: {  	v4 =	vmul.f32 v4, v14;
	v17 =	vld [tilespmem:s2+$0x10];
	v14 =	vsub.f32 v11, v0;
	v6 =	vsub.f32 v6, v9  }
0x126: {  	v11 =	vsub.f32 v13, v11;
	v12 =	vmul.f32 v12, v1;
	v7 =	vtrunc.f32 v7  }
0x127: {  	v8 =	vsub.f32 v3, v8;
	v14 =	vmul.f32 v14, v1;
	v2 =	vcvt.f32.s32 v7  }
0x128: {  	v10 =	vsub.f32 v16, v10;
	v15 =	vmul.f32 v15, v1;
	v7 =	vtrunc.f32 v12;
	v12 =	vld [tilespmem:s2+$0xFFFFFFF0]  }
0x129: {  	v9 =	vtrunc.f32 v14;
	v7 =	vcvt.f32.s32 v7;
	vm12 =	vgt.s32 v2, $0x0  }
0x12a: {  	v20 =	vsub.f32 v17, v0;
	v9 =	vcvt.f32.s32 v9;
	v3 =	vnsel vm12, $0x0, v2  }
0x12b: {  	s1 =	simm.s32 $0x60;
	v15 =	vtrunc.f32 v15;
	v2 =	vld [tilespmem:s2+$0xFFFFFFE0];
	vm13 =	vgt.s32 v7, $0x0;
	v13 =	vmin.u32 v3, $0x9  }
0x12c: {  	v18 =	vld [tilespmem:s1+$0x10];
	vm14 =	vgt.s32 v9, $0x0;
	v3 =	vnsel vm13, $0x0, v7;
	v7 =	vcvt.f32.s32 v15  }
0x12d: {  	v15 =	vld [tilespmem:s2+$0x0];
	v14 =	vmin.u32 v3, $0x9;
	v16 =	vsub.f32 v12, v0;
	v3 =	vnsel vm14, $0x0, v9  }
0x12e: {  	v19 =	vld [tilespmem:s1+$0x0];
	v9 =	vmul.f32 v8, v8;
	v21 =	vmin.u32 v3, $0x9;
	vm15 =	vgt.s32 v7, $0x0  }
0x12f: {  	v22 =	vld [tilespmem:s1+$0xFFFFFFF0];
	v3 =	vmul.f32 v6, v6;
	v6 =	vmul.f32 v11, v11;
	v7 =	vnsel vm15, $0x0, v7  }
0x130: {  	v11 =	vmul.f32 v20, v1;
	v23 =	vsub.f32 v2, v0;
	v25 =	vmin.u32 v7, $0x9;
	v24 =	vld.idx.msk [tilespmem:v13+s21+$0x0], $0xffff  }
0x131: {  	v20 =	vmul.f32 v10, v10;
	v10 =	vld [tilespmem:s1+$0xFFFFFFE0];
	v63 =	vmul.f32 v16, v1  }
0x132: {  	v8 =	vadd.f32 v4, v5;
	v7 =	vsub.f32 v15, v0;
	v5 =	vmul.f32 v23, v1;
	v13 =	vld.idx.msk [tilespmem:v14+s21+$0x0], $0xffff  }
0x133: {  	v4 =	vsub.f32 v18, v17;
	v18 =	vtrunc.f32 v63;
	v14 =	vtrunc.f32 v11  }
0x134: {  	v16 =	vmul.f32 v7, v1;
	v11 =	vld.idx.msk [tilespmem:v21+s21+$0x0], $0xffff;
	v7 =	vtrunc.f32 v5;
	v5 =	vsub.f32 v19, v15  }
0x135: {  	s0 =	simm.s32 $0x4;
	s2 =	simm.s32 $0x80A0;
	v17 =	vcvt.f32.s32 v7;
	v7 =	vsub.f32 v22, v12;
	v12 =	vld.idx.msk [tilespmem:v25+s21+$0x0], $0xffff;
	v15 =	vmul.f32 v20, v24  }
.LBB2_10:
0x136: {  	v19 =	vld [tilespmem:s2+$0x10];
	v20 =	vsub.f32 v10, v2;
	v10 =	vcvt.f32.s32 v18;
	v2 =	vtrunc.f32 v16  }
0x137: {  	v9 =	vmul.f32 v9, v13;
	v21 =	vld [tilespmem:s2+$0xFFFFFFF0];
	vm0 =	vgt.s32 v17, $0x0;
	v8 =	vadd.f32 v15, v8  }
0x138: {  	v15 =	vcvt.f32.s32 v2;
	v13 =	vnsel vm0, $0x0, v17;
	vm0 =	vgt.s32 v10, $0x0  }
0x139: {  	s1 =	sadd.s32 $0x40, s1;
	v6 =	vmul.f32 v6, v11;
	v2 =	vld [tilespmem:s2+$0xFFFFFFE0];
	v13 =	vmin.u32 v13, $0x9;
	v8 =	vadd.f32 v9, v8  }
0x13a: {  	s0 =	sadd.s32 $0x4, s0;
	v9 =	vnsel vm0, $0x0, v10;
	vm0 =	vgt.s32 v15, $0x0;
	v10 =	vcvt.f32.s32 v14;
	v11 =	vld [tilespmem:s1+$0x10]  }
0x13b: {  	p0 =	slt.u32 s0, $0x3FC;
	v14 =	vmin.u32 v9, $0x9;
	v3 =	vmul.f32 v3, v12;
	v17 =	vld [tilespmem:s2+$0x0];
	v6 =	vadd.f32 v6, v8  }
0x13c: {  	v16 =	vsub.f32 v19, v0;
	v8 =	vnsel vm0, $0x0, v15;
	v12 =	vsub.f32 v21, v0;
	v22 =	vld [tilespmem:s1+$0x0]  }
0x13d: {  	vm0 =	vgt.s32 v10, $0x0;
	v18 =	vmin.u32 v8, $0x9;
	v15 =	vld [tilespmem:s1+$0xFFFFFFF0];
	v8 =	vadd.f32 v3, v6  }
0x13e: {  	v3 =	vmul.f32 v4, v4;
	v23 =	vsub.f32 v2, v0;
	v24 =	vld.idx.msk [tilespmem:v13+s21+$0x0], $0xffff;
	v13 =	vnsel vm0, $0x0, v10  }
0x13f: {  	v9 =	vmul.f32 v7, v7;
	v6 =	vmul.f32 v5, v5;
	v10 =	vld [tilespmem:s1+$0xFFFFFFE0];
	v25 =	vmin.u32 v13, $0x9  }
.Ltmp4:
0x140: {  	v20 =	vmul.f32 v20, v20;
	v5 =	vmul.f32 v16, v1;
	v4 =	vsub.f32 v17, v0;
	v13 =	vld.idx.msk [tilespmem:v14+s21+$0x0], $0xffff;
	(pc) =	sbr.rel @p0 .LBB2_10-.Ltmp4, $4  }
0x141: {  	v12 =	vmul.f32 v12, v1;
	v7 =	vmul.f32 v23, v1  }
0x142: {  	v14 =	vtrunc.f32 v5;
	v16 =	vmul.f32 v4, v1;
	v4 =	vsub.f32 v11, v19;
	v11 =	vld.idx.msk [tilespmem:v18+s21+$0x0], $0xffff  }
0x143: {  	v5 =	vsub.f32 v22, v17;
	v7 =	vtrunc.f32 v7;
	v18 =	vtrunc.f32 v12  }
0x144: {  	s2 =	sadd.s32 $0x40, s2;
	v17 =	vcvt.f32.s32 v7;
	v7 =	vsub.f32 v15, v21;
	v15 =	vmul.f32 v20, v24;
	v12 =	vld.idx.msk [tilespmem:v25+s21+$0x0], $0xffff  }
0x145: {  	v18 =	vcvt.f32.s32 v18  }
0x146: {  	v16 =	vtrunc.f32 v16;
	v14 =	vcvt.f32.s32 v14;
	vm0 =	vgt.s32 v17, $0x0  }
0x147: {  	v16 =	vcvt.f32.s32 v16;
	v17 =	vnsel vm0, $0x0, v17;
	vm9 =	vgt.s32 v18, $0x0  }
0x148: {  	vm11 =	vgt.s32 v14, $0x0;
	v17 =	vmin.u32 v17, $0x9;
	v18 =	vnsel vm9, $0x0, v18  }
0x149: {  	vm10 =	vgt.s32 v16, $0x0;
	v14 =	vnsel vm11, $0x0, v14;
	v18 =	vmin.u32 v18, $0x9  }
0x14a: {  	v16 =	vnsel vm10, $0x0, v16;
	v14 =	vmin.u32 v14, $0x9  }
0x14b: {  	v16 =	vmin.u32 v16, $0x9;
	_ =	sdelay $0x1  }
0x14c: {  	v17 =	vld.idx.msk [tilespmem:v17+s21+$0x0], $0xffff  }
0x14d: {  	v18 =	vld.idx.msk [tilespmem:v18+s21+$0x0], $0xffff  }
0x14e: {  	v14 =	vld.idx.msk [tilespmem:v14+s21+$0x0], $0xffff  }
0x14f: {  	v16 =	vld.idx.msk [tilespmem:v16+s21+$0x0], $0xffff;
	[tilespmem:s4], [sflag:$0x1] =	stream.linear.gather [hbm4b:s17+s4], $0x4000, $0x38  }
0x150: {  	_ = 	snop  }
0x151: {  	[tilespmem:s24], [sflag:$0x1] =	stream.linear.gather [hbm4b:s18+s4], $0x4000, $0x38;
	[tilespmem:$0x10180] =	vst v63  }
0x152: {  	_ =	swait.ge [sflag:s29], $0x4000  }
0x153: {  	v9 =	vmul.f32 v9, v13;
	v8 =	vadd.f32 v15, v8;
	[sflag:s29] =	ssyncset.done $0x0  }
0x154: {  	[sflag:s29] =	ssyncadd.s32 $0xFFFFC000  }
0x155: {  	v2 =	vsub.f32 v10, v2;
	v6 =	vmul.f32 v6, v11;
	v8 =	vadd.f32 v9, v8;
	_ =	swait.ge [sflag:s29], $0x4000  }
0x156: {  	[sflag:s29] =	ssyncset.done $0x0  }
0x157: {  	s0 =	simm.s32 $0xC020;
	v2 =	vmul.f32 v2, v2;
	v3 =	vmul.f32 v3, v12;
	v6 =	vadd.f32 v6, v8;
	[sflag:s29] =	ssyncadd.s32 $0xFFFFC000  }
0x158: {  	v9 =	vld [tilespmem:s0+$0x10]  }
0x159: {  	v3 =	vadd.f32 v3, v6;
	v6 =	vmul.f32 v7, v7;
	v2 =	vmul.f32 v2, v17;
	v10 =	vld [tilespmem:s0+$0xFFFFFFE0]  }
0x15a: {  	v8 =	vld [tilespmem:s0+$0xFFFFFFF0]  }
0x15b: {  	v5 =	vmul.f32 v5, v5;
	s1 =	simm.s32 $0x4020;
	v2 =	vadd.f32 v2, v3;
	v3 =	vmul.f32 v6, v18;
	v11 =	vld [tilespmem:s0+$0x0]  }
0x15c: {  	v6 =	vld [tilespmem:s1+$0x10]  }
0x15d: {  	v5 =	vmul.f32 v5, v16;
	v2 =	vadd.f32 v3, v2;
	v13 =	vld [tilespmem:s1+$0x0]  }
0x15e: {  	v3 =	vld [tilespmem:s1+$0xFFFFFFF0];
	v7 =	vsub.f32 v10, v0  }
0x15f: {  	v4 =	vmul.f32 v4, v4;
	v16 =	vld [tilespmem:s1+$0xFFFFFFE0];
	v5 =	vadd.f32 v5, v2  }
0x160: {  	s2 =	simm.s32 $0xC060;
	v12 =	vsub.f32 v8, v0;
	v15 =	vsub.f32 v9, v0;
	v7 =	vmul.f32 v7, v1  }
0x161: {  	v4 =	vmul.f32 v4, v14;
	v17 =	vld [tilespmem:s2+$0x10];
	v14 =	vsub.f32 v11, v0;
	v6 =	vsub.f32 v6, v9  }
0x162: {  	v11 =	vsub.f32 v13, v11;
	v12 =	vmul.f32 v12, v1;
	v7 =	vtrunc.f32 v7  }
0x163: {  	v8 =	vsub.f32 v3, v8;
	v14 =	vmul.f32 v14, v1;
	v2 =	vcvt.f32.s32 v7  }
0x164: {  	v10 =	vsub.f32 v16, v10;
	v15 =	vmul.f32 v15, v1;
	v7 =	vtrunc.f32 v12;
	v12 =	vld [tilespmem:s2+$0xFFFFFFF0]  }
0x165: {  	v9 =	vtrunc.f32 v14;
	v7 =	vcvt.f32.s32 v7;
	vm12 =	vgt.s32 v2, $0x0  }
0x166: {  	v20 =	vsub.f32 v17, v0;
	v9 =	vcvt.f32.s32 v9;
	v3 =	vnsel vm12, $0x0, v2  }
0x167: {  	s1 =	simm.s32 $0x4060;
	v15 =	vtrunc.f32 v15;
	v2 =	vld [tilespmem:s2+$0xFFFFFFE0];
	vm13 =	vgt.s32 v7, $0x0;
	v13 =	vmin.u32 v3, $0x9  }
0x168: {  	v18 =	vld [tilespmem:s1+$0x10];
	vm14 =	vgt.s32 v9, $0x0;
	v3 =	vnsel vm13, $0x0, v7;
	v7 =	vcvt.f32.s32 v15  }
0x169: {  	v15 =	vld [tilespmem:s2+$0x0];
	v14 =	vmin.u32 v3, $0x9;
	v16 =	vsub.f32 v12, v0;
	v3 =	vnsel vm14, $0x0, v9  }
0x16a: {  	v19 =	vld [tilespmem:s1+$0x0];
	v9 =	vmul.f32 v8, v8;
	v21 =	vmin.u32 v3, $0x9;
	vm15 =	vgt.s32 v7, $0x0  }
0x16b: {  	v22 =	vld [tilespmem:s1+$0xFFFFFFF0];
	v3 =	vmul.f32 v6, v6;
	v6 =	vmul.f32 v11, v11;
	v7 =	vnsel vm15, $0x0, v7  }
0x16c: {  	v11 =	vmul.f32 v20, v1;
	v23 =	vsub.f32 v2, v0;
	v25 =	vmin.u32 v7, $0x9;
	v24 =	vld.idx.msk [tilespmem:v13+s21+$0x0], $0xffff  }
0x16d: {  	v20 =	vmul.f32 v10, v10;
	v10 =	vld [tilespmem:s1+$0xFFFFFFE0];
	v63 =	vmul.f32 v16, v1  }
0x16e: {  	v8 =	vadd.f32 v4, v5;
	v7 =	vsub.f32 v15, v0;
	v5 =	vmul.f32 v23, v1;
	v13 =	vld.idx.msk [tilespmem:v14+s21+$0x0], $0xffff  }
0x16f: {  	v4 =	vsub.f32 v18, v17;
	v18 =	vtrunc.f32 v63;
	v14 =	vtrunc.f32 v11  }
0x170: {  	v16 =	vmul.f32 v7, v1;
	v11 =	vld.idx.msk [tilespmem:v21+s21+$0x0], $0xffff;
	v7 =	vtrunc.f32 v5;
	v5 =	vsub.f32 v19, v15  }
0x171: {  	s0 =	simm.s32 $0x4;
	s2 =	simm.s32 $0xC0A0;
	v17 =	vcvt.f32.s32 v7;
	v7 =	vsub.f32 v22, v12;
	v12 =	vld.idx.msk [tilespmem:v25+s21+$0x0], $0xffff;
	v15 =	vmul.f32 v20, v24  }
.LBB2_12:
0x172: {  	v19 =	vld [tilespmem:s2+$0x10];
	v20 =	vsub.f32 v10, v2;
	v10 =	vcvt.f32.s32 v18;
	v2 =	vtrunc.f32 v16  }
0x173: {  	v9 =	vmul.f32 v9, v13;
	v21 =	vld [tilespmem:s2+$0xFFFFFFF0];
	vm0 =	vgt.s32 v17, $0x0;
	v8 =	vadd.f32 v15, v8  }
0x174: {  	v15 =	vcvt.f32.s32 v2;
	v13 =	vnsel vm0, $0x0, v17;
	vm0 =	vgt.s32 v10, $0x0  }
0x175: {  	s1 =	sadd.s32 $0x40, s1;
	v6 =	vmul.f32 v6, v11;
	v2 =	vld [tilespmem:s2+$0xFFFFFFE0];
	v13 =	vmin.u32 v13, $0x9;
	v8 =	vadd.f32 v9, v8  }
0x176: {  	s0 =	sadd.s32 $0x4, s0;
	v9 =	vnsel vm0, $0x0, v10;
	vm0 =	vgt.s32 v15, $0x0;
	v10 =	vcvt.f32.s32 v14;
	v11 =	vld [tilespmem:s1+$0x10]  }
0x177: {  	p0 =	slt.u32 s0, $0x3FC;
	v14 =	vmin.u32 v9, $0x9;
	v3 =	vmul.f32 v3, v12;
	v17 =	vld [tilespmem:s2+$0x0];
	v6 =	vadd.f32 v6, v8  }
0x178: {  	v16 =	vsub.f32 v19, v0;
	v8 =	vnsel vm0, $0x0, v15;
	v12 =	vsub.f32 v21, v0;
	v22 =	vld [tilespmem:s1+$0x0]  }
0x179: {  	vm0 =	vgt.s32 v10, $0x0;
	v18 =	vmin.u32 v8, $0x9;
	v15 =	vld [tilespmem:s1+$0xFFFFFFF0];
	v8 =	vadd.f32 v3, v6  }
0x17a: {  	v3 =	vmul.f32 v4, v4;
	v23 =	vsub.f32 v2, v0;
	v24 =	vld.idx.msk [tilespmem:v13+s21+$0x0], $0xffff;
	v13 =	vnsel vm0, $0x0, v10  }
0x17b: {  	v9 =	vmul.f32 v7, v7;
	v6 =	vmul.f32 v5, v5;
	v10 =	vld [tilespmem:s1+$0xFFFFFFE0];
	v25 =	vmin.u32 v13, $0x9  }
.Ltmp5:
0x17c: {  	v20 =	vmul.f32 v20, v20;
	v5 =	vmul.f32 v16, v1;
	v4 =	vsub.f32 v17, v0;
	v13 =	vld.idx.msk [tilespmem:v14+s21+$0x0], $0xffff;
	(pc) =	sbr.rel @p0 .LBB2_12-.Ltmp5, $4  }
0x17d: {  	v12 =	vmul.f32 v12, v1;
	v7 =	vmul.f32 v23, v1  }
0x17e: {  	v14 =	vtrunc.f32 v5;
	v16 =	vmul.f32 v4, v1;
	v4 =	vsub.f32 v11, v19;
	v11 =	vld.idx.msk [tilespmem:v18+s21+$0x0], $0xffff  }
0x17f: {  	v5 =	vsub.f32 v22, v17;
	v7 =	vtrunc.f32 v7;
	v18 =	vtrunc.f32 v12  }
0x180: {  	s2 =	sadd.s32 $0x40, s2;
	v17 =	vcvt.f32.s32 v7;
	v7 =	vsub.f32 v15, v21;
	v15 =	vmul.f32 v20, v24;
	v12 =	vld.idx.msk [tilespmem:v25+s21+$0x0], $0xffff  }
0x181: {  	v18 =	vcvt.f32.s32 v18  }
0x182: {  	v16 =	vtrunc.f32 v16;
	v14 =	vcvt.f32.s32 v14;
	vm0 =	vgt.s32 v17, $0x0  }
0x183: {  	v16 =	vcvt.f32.s32 v16;
	v17 =	vnsel vm0, $0x0, v17;
	vm9 =	vgt.s32 v18, $0x0  }
0x184: {  	vm11 =	vgt.s32 v14, $0x0;
	v17 =	vmin.u32 v17, $0x9;
	v18 =	vnsel vm9, $0x0, v18  }
0x185: {  	vm10 =	vgt.s32 v16, $0x0;
	v14 =	vnsel vm11, $0x0, v14;
	v18 =	vmin.u32 v18, $0x9  }
0x186: {  	v16 =	vnsel vm10, $0x0, v16;
	v14 =	vmin.u32 v14, $0x9  }
0x187: {  	v16 =	vmin.u32 v16, $0x9;
	_ =	sdelay $0x1  }
0x188: {  	v17 =	vld.idx.msk [tilespmem:v17+s21+$0x0], $0xffff  }
0x189: {  	v18 =	vld.idx.msk [tilespmem:v18+s21+$0x0], $0xffff  }
0x18a: {  	v14 =	vld.idx.msk [tilespmem:v14+s21+$0x0], $0xffff  }
0x18b: {  	v16 =	vld.idx.msk [tilespmem:v16+s21+$0x0], $0xffff;
	_ =	swait.ge [sflag:s28], $0x4000  }
0x18c: {  	v9 =	vmul.f32 v9, v13;
	v8 =	vadd.f32 v15, v8;
	[sflag:s28] =	ssyncset.done $0x0  }
0x18d: {  	[sflag:s28] =	ssyncadd.s32 $0xFFFFC000  }
0x18e: {  	v2 =	vsub.f32 v10, v2;
	v6 =	vmul.f32 v6, v11;
	v8 =	vadd.f32 v9, v8;
	_ =	swait.ge [sflag:s28], $0x4000  }
0x18f: {  	[sflag:s28] =	ssyncset.done $0x0  }
0x190: {  	s0 =	simm.s32 $0x8020;
	v2 =	vmul.f32 v2, v2;
	v3 =	vmul.f32 v3, v12;
	v6 =	vadd.f32 v6, v8;
	[sflag:s28] =	ssyncadd.s32 $0xFFFFC000  }
0x191: {  	v9 =	vld [tilespmem:s0+$0x10]  }
0x192: {  	v3 =	vadd.f32 v3, v6;
	v6 =	vmul.f32 v7, v7;
	v2 =	vmul.f32 v2, v17;
	v10 =	vld [tilespmem:s0+$0xFFFFFFE0]  }
0x193: {  	v8 =	vld [tilespmem:s0+$0xFFFFFFF0]  }
0x194: {  	v5 =	vmul.f32 v5, v5;
	s1 =	simm.s32 $0x20;
	v2 =	vadd.f32 v2, v3;
	v3 =	vmul.f32 v6, v18;
	v11 =	vld [tilespmem:s0+$0x0]  }
0x195: {  	v6 =	vld [tilespmem:s1+$0x10]  }
0x196: {  	v5 =	vmul.f32 v5, v16;
	v13 =	vld [tilespmem:s1+$0x0];
	v2 =	vadd.f32 v3, v2  }
0x197: {  	v16 =	vld [tilespmem:s1+$0xFFFFFFE0];
	v7 =	vsub.f32 v10, v0  }
0x198: {  	v4 =	vmul.f32 v4, v4;
	v3 =	vld [tilespmem:s1+$0xFFFFFFF0];
	v5 =	vadd.f32 v5, v2  }
0x199: {  	v12 =	vsub.f32 v8, v0;
	v15 =	vsub.f32 v9, v0;
	v7 =	vmul.f32 v7, v1  }
0x19a: {  	v4 =	vmul.f32 v4, v14;
	v14 =	vsub.f32 v11, v0;
	v6 =	vsub.f32 v6, v9  }
0x19b: {  	s2 =	simm.s32 $0x8060;
	v9 =	vsub.f32 v13, v11;
	v12 =	vmul.f32 v12, v1;
	v7 =	vtrunc.f32 v7  }
0x19c: {  	v13 =	vld [tilespmem:s2+$0xFFFFFFF0];
	v10 =	vsub.f32 v16, v10;
	v15 =	vmul.f32 v15, v1;
	v2 =	vcvt.f32.s32 v7  }
0x19d: {  	v8 =	vsub.f32 v3, v8;
	v14 =	vmul.f32 v14, v1;
	v7 =	vtrunc.f32 v12  }
0x19e: {  	v25 =	vmul.f32 v10, v10;
	v7 =	vcvt.f32.s32 v7;
	vm12 =	vgt.s32 v2, $0x0  }
0x19f: {  	v11 =	vld [tilespmem:s2+$0x10];
	v15 =	vtrunc.f32 v15;
	v12 =	vtrunc.f32 v14;
	v3 =	vnsel vm12, $0x0, v2  }
0x1a0: {  	s1 =	simm.s32 $0x60;
	v12 =	vcvt.f32.s32 v12;
	v2 =	vld [tilespmem:s2+$0xFFFFFFE0];
	vm13 =	vgt.s32 v7, $0x0;
	v14 =	vmin.u32 v3, $0x9  }
0x1a1: {  	v17 =	vld [tilespmem:s1+$0x10];
	v18 =	vsub.f32 v13, v0;
	v3 =	vnsel vm13, $0x0, v7;
	v7 =	vcvt.f32.s32 v15  }
0x1a2: {  	v16 =	vld [tilespmem:s2+$0x0];
	v8 =	vmul.f32 v8, v8;
	vm14 =	vgt.s32 v12, $0x0;
	v15 =	vmin.u32 v3, $0x9  }
0x1a3: {  	v19 =	vld [tilespmem:s1+$0x0];
	v18 =	vmul.f32 v18, v1;
	v3 =	vnsel vm14, $0x0, v12;
	vm15 =	vgt.s32 v7, $0x0  }
0x1a4: {  	v21 =	vld [tilespmem:s1+$0xFFFFFFF0];
	v12 =	vsub.f32 v11, v0;
	v20 =	vmin.u32 v3, $0x9;
	v7 =	vnsel vm15, $0x0, v7  }
0x1a5: {  	v3 =	vmul.f32 v6, v6;
	v22 =	vsub.f32 v2, v0;
	v24 =	vmin.u32 v7, $0x9;
	v23 =	vld.idx.msk [tilespmem:v14+s21+$0x0], $0xffff  }
0x1a6: {  	v10 =	vld [tilespmem:s1+$0xFFFFFFE0];
	v6 =	vmul.f32 v9, v9;
	v12 =	vmul.f32 v12, v1  }
0x1a7: {  	v9 =	vadd.f32 v4, v5;
	v7 =	vsub.f32 v16, v0;
	v5 =	vmul.f32 v22, v1;
	v14 =	vld.idx.msk [tilespmem:v15+s21+$0x0], $0xffff  }
0x1a8: {  	v18 =	vtrunc.f32 v18;
	v4 =	vsub.f32 v17, v11;
	v12 =	vtrunc.f32 v12  }
0x1a9: {  	v15 =	vmul.f32 v7, v1;
	v11 =	vld.idx.msk [tilespmem:v20+s21+$0x0], $0xffff;
	v7 =	vtrunc.f32 v5;
	v5 =	vsub.f32 v19, v16  }
0x1aa: {  	s0 =	simm.s32 $0x4;
	s2 =	simm.s32 $0x80A0;
	v16 =	vcvt.f32.s32 v7;
	v7 =	vsub.f32 v21, v13;
	v13 =	vld.idx.msk [tilespmem:v24+s21+$0x0], $0xffff;
	v17 =	vmul.f32 v25, v23  }
.LBB2_14:
0x1ab: {  	v19 =	vld [tilespmem:s2+$0x10];
	v20 =	vsub.f32 v10, v2;
	v10 =	vcvt.f32.s32 v18;
	v2 =	vtrunc.f32 v15  }
0x1ac: {  	v8 =	vmul.f32 v8, v14;
	v21 =	vld [tilespmem:s2+$0xFFFFFFF0];
	vm0 =	vgt.s32 v16, $0x0;
	v9 =	vadd.f32 v17, v9  }
0x1ad: {  	v15 =	vcvt.f32.s32 v2;
	v14 =	vnsel vm0, $0x0, v16;
	vm0 =	vgt.s32 v10, $0x0  }
0x1ae: {  	s1 =	sadd.s32 $0x40, s1;
	v6 =	vmul.f32 v6, v11;
	v2 =	vld [tilespmem:s2+$0xFFFFFFE0];
	v14 =	vmin.u32 v14, $0x9;
	v8 =	vadd.f32 v8, v9  }
0x1af: {  	s0 =	sadd.s32 $0x4, s0;
	v9 =	vnsel vm0, $0x0, v10;
	vm0 =	vgt.s32 v15, $0x0;
	v10 =	vcvt.f32.s32 v12;
	v11 =	vld [tilespmem:s1+$0x10]  }
0x1b0: {  	p0 =	slt.u32 s0, $0x3FC;
	v12 =	vmin.u32 v9, $0x9;
	v3 =	vmul.f32 v3, v13;
	v16 =	vld [tilespmem:s2+$0x0];
	v6 =	vadd.f32 v6, v8  }
0x1b1: {  	v18 =	vsub.f32 v19, v0;
	v8 =	vnsel vm0, $0x0, v15;
	v13 =	vsub.f32 v21, v0;
	v17 =	vld [tilespmem:s1+$0x0]  }
0x1b2: {  	vm0 =	vgt.s32 v10, $0x0;
	v23 =	vmin.u32 v8, $0x9;
	v22 =	vld [tilespmem:s1+$0xFFFFFFF0];
	v9 =	vadd.f32 v3, v6  }
0x1b3: {  	v3 =	vmul.f32 v4, v4;
	v15 =	vsub.f32 v2, v0;
	v24 =	vld.idx.msk [tilespmem:v14+s21+$0x0], $0xffff;
	v14 =	vnsel vm0, $0x0, v10  }
0x1b4: {  	v8 =	vmul.f32 v7, v7;
	v6 =	vmul.f32 v5, v5;
	v10 =	vld [tilespmem:s1+$0xFFFFFFE0];
	v25 =	vmin.u32 v14, $0x9  }
.Ltmp6:
0x1b5: {  	v20 =	vmul.f32 v20, v20;
	v5 =	vmul.f32 v18, v1;
	v4 =	vsub.f32 v16, v0;
	v14 =	vld.idx.msk [tilespmem:v12+s21+$0x0], $0xffff;
	(pc) =	sbr.rel @p0 .LBB2_14-.Ltmp6, $4  }
0x1b6: {  	v13 =	vmul.f32 v13, v1;
	v7 =	vmul.f32 v15, v1  }
0x1b7: {  	v12 =	vtrunc.f32 v5;
	v15 =	vmul.f32 v4, v1;
	v4 =	vsub.f32 v11, v19;
	v11 =	vld.idx.msk [tilespmem:v23+s21+$0x0], $0xffff  }
0x1b8: {  	v18 =	vtrunc.f32 v13;
	v5 =	vsub.f32 v17, v16;
	v7 =	vtrunc.f32 v7  }
0x1b9: {  	s2 =	sadd.s32 $0x40, s2;
	v16 =	vcvt.f32.s32 v7;
	v7 =	vsub.f32 v22, v21;
	v17 =	vmul.f32 v20, v24;
	v13 =	vld.idx.msk [tilespmem:v25+s21+$0x0], $0xffff  }
0x1ba: {  	_ = 	snop  }
0x1bb: {  	v0 =	vcvt.f32.s32 v18;
	vm0 =	vgt.s32 v16, $0x0  }
0x1bc: {  	v1 =	vtrunc.f32 v15;
	v57 =	vnsel vm0, $0x0, v16  }
0x1bd: {  	v1 =	vcvt.f32.s32 v1;
	vm13 =	vgt.s32 v0, $0x0;
	v15 =	vmin.u32 v57, $0x9  }
0x1be: {  	v0 =	vnsel vm13, $0x0, v0  }
0x1bf: {  	v12 =	vcvt.f32.s32 v12;
	vm14 =	vgt.s32 v1, $0x0;
	v0 =	vmin.u32 v0, $0x9  }
0x1c0: {  	v8 =	vmul.f32 v8, v14;
	v1 =	vnsel vm14, $0x0, v1  }
0x1c1: {  	v9 =	vadd.f32 v17, v9;
	vm15 =	vgt.s32 v12, $0x0;
	v1 =	vmin.u32 v1, $0x9  }
0x1c2: {  	v2 =	vsub.f32 v10, v2;
	v12 =	vnsel vm15, $0x0, v12;
	v58 =	vld.idx.msk [tilespmem:v15+s21+$0x0], $0xffff  }
0x1c3: {  	v6 =	vmul.f32 v6, v11;
	v8 =	vadd.f32 v8, v9;
	v59 =	vmin.u32 v12, $0x9  }
0x1c4: {  	v0 =	vld.idx.msk [tilespmem:v0+s21+$0x0], $0xffff  }
0x1c5: {  	v2 =	vmul.f32 v2, v2;
	v3 =	vmul.f32 v3, v13;
	v6 =	vadd.f32 v6, v8  }
0x1c6: {  	v1 =	vld.idx.msk [tilespmem:v1+s21+$0x0], $0xffff  }
0x1c7: {  	v60 =	vmul.f32 v7, v7;
	v3 =	vadd.f32 v3, v6;
	v2 =	vmul.f32 v2, v58  }
0x1c8: {  	v61 =	vld.idx.msk [tilespmem:v59+s21+$0x0], $0xffff  }
0x1c9: {  	v5 =	vmul.f32 v5, v5;
	v0 =	vmul.f32 v60, v0;
	v2 =	vadd.f32 v2, v3;
	_ =	sdelay $0x1  }
0x1ca: {  	v62 =	vmul.f32 v4, v4;
	v1 =	vmul.f32 v5, v1;
	v0 =	vadd.f32 v0, v2;
	_ =	sdelay $0x1  }
0x1cb: {  	v63 =	vmul.f32 v62, v61;
	v0 =	vadd.f32 v1, v0;
	_ =	sdelay $0x1  }
0x1cc: {  	s31 =	sadd.s32 $0x1, s31;
	v0 =	vadd.f32 v63, v0  }
0x1cd: {  	p0 =	sne.s32 s31, s20  }
.Ltmp7:
0x1ce: {  	[tilespmem:$0x10100] =	vst v0;
	(pc) =	sbr.rel @p0 .LBB2_1-.Ltmp7, $4  }
0x1cf: {  	[hbm4b:s19+s4] =	stream.linear.scatter [tilespmem:s30], [sflag:$0x3], $0x10, $0x38;
	[tilespmem:$0x10180] =	vst v63  }
0x1d0: {  	_ =	swait.ge [sflag:s22], $0x10  }
0x1d1: {  	[sflag:s22] =	ssyncset.done $0x0  }
0x1d2: {  	[sflag:s22] =	ssyncadd.s32 $0xFFFFFFF0  }
0x1d3: {  	_ =	sfence.sel $0x180000  }
0x1d4: {  	[bflag:$0x0] =	sbarrier.arrive $0xFFFF  }
0x1d5: {  	_ =	strace $0x90000047  }
0x1d6: {  	s0 =	stileid.u32;
	[bflag:$0x2] =	sbarrier.arrive $0xFFFF  }
0x1d7: {  	p0 =	sne.s32 s0, $0x0;
	s0 =	rddreg [dreg:$0x4]  }
0x1d8: {  	s0 =	sadd.s32 @!p0 $0x100000, s0  }
0x1d9: {  	[sflag:s0] =	ssyncadd.tile.s32 @!p0 $0x1;
	_ =	shalt  }
.Lfunc_end2:
_tile_overlayer_lowered:
.L_overlay_start_2:
0x1da: {  	(tag) =	ssettag $0x2  }
0x1db: {  	s0 =	rddreg [dreg:$0x0];
	s2 =	stileid.u32  }
0x1dc: {  	s1 =	rddreg [dreg:$0x1];
	p0 =	sne.s32 s2, $0x0  }
0x1dd: {  	s3 =	rddreg [dreg:$0x2];
	[bflag:$0x3] =	sbarrier.arrive $0xFFFF;
	s2 =	simm.s32 @!p0 $0x1C03  }
0x1de: {  	[timem:s3], [sflag:s2] =	dma.local @!p0 [hbm:s0], s1  }
0x1df: {  	s0 =	simm.s32 @!p0 $0x3  }
0x1e0: {  	_ =	swait.ge @!p0 [sflag:s0], s1  }
0x1e1: {  	s1 =	ssub.s32 @!p0 $0x0, s1;
	[sflag:s0] =	ssyncset.done @!p0 $0x0  }
0x1e2: {  	[sflag:s0] =	ssyncadd.s32 @!p0 s1  }
0x1e3: {  	[bflag:$0x3] =	sbarrier.arrive $0xFFFF  }
0x1e4: {  	_ =	shalt  }

</sc_bundles>
